<compile_context>
chip_gen: v7x
topology: tpu7x:2x2x1
jax: 0.10.2.dev20260603
libtpu: 0.0.44.dev20260713+nightly
codegen_flags: <defaults>
</compile_context>

<pallas_src>
import functools

import jax
import jax.numpy as jnp
from jax import lax
from jax.experimental import pallas as pl
from jax.experimental.pallas import tpu as pltpu
from jax.experimental.pallas import tpu_sc as plsc

N = 10000
E = 160000
D_IN = 256
D_H = 512
N_CLASSES = 64
N_GRAPHS = 64

NC = 2
NS = 16
LW = 128

E_PAD = 163840
CH = 128
NB = 2
PER_TILE = E_PAD // NS
N_CHUNKS = PER_TILE // CH
ACC_ROWS = 10112
DUMMY_DST = N + 48

BM = 1000
MB = N // BM


@functools.lru_cache(maxsize=None)
def _make_agg(n_slices):
  mesh = plsc.VectorSubcoreMesh(
      core_axis_name="c", subcore_axis_name="s", num_cores=NC, num_subcores=NS)

  @functools.partial(
      pl.kernel,
      out_type=jax.ShapeDtypeStruct((n_slices, N, LW), jnp.float32),
      mesh=mesh,
      scratch_types=[
          pltpu.VMEM((N_CHUNKS, CH), jnp.int32),
          pltpu.VMEM((CH,), jnp.int32),
          pltpu.VMEM((CH,), jnp.int32),
          pltpu.VMEM((CH, LW), jnp.float32),
          pltpu.VMEM((CH, LW), jnp.float32),
          pltpu.VMEM_SHARED((ACC_ROWS, LW), jnp.float32),
          pltpu.SemaphoreType.DMA,
          pltpu.SemaphoreType.DMA,
          pltpu.SemaphoreType.DMA,
          pltpu.SemaphoreType.DMA,
          pltpu.SemaphoreType.DMA,
          pltpu.SemaphoreType.DMA,
      ],
  )
  def agg_kernel(table_hbm, src_hbm, dst_hbm, zeros_hbm, out_hbm,
                 dstall, sidx0, sidx1, rows0, rows1, acc,
                 isem0, isem1, gsem0, gsem1, ssem0, ssem1):
    c = lax.axis_index("c")
    s = lax.axis_index("s")
    zrows = ACC_ROWS // NS
    sidx = (sidx0, sidx1)
    rows = (rows0, rows1)
    isem = (isem0, isem1)
    gsem = (gsem0, gsem1)
    ssem = (ssem0, ssem1)
    NROUND = N_CHUNKS // NB

    pltpu.sync_copy(dst_hbm.at[s], dstall)

    for i in range(n_slices // NC):
      sl = i * NC + c

      pltpu.sync_copy(zeros_hbm.at[pl.ds(s * zrows, zrows)],
                      acc.at[pl.ds(s * zrows, zrows)])

      for b in range(NB):
        pltpu.async_copy(src_hbm.at[s].at[b], sidx[b], isem[b])
      plsc.subcore_barrier()

      def body(kk, carry):
        gs = []
        for b in range(NB):
          pltpu.make_async_copy(src_hbm.at[s].at[0], sidx[b], isem[b]).wait()

          @pl.when(kk > 0)
          def _(b=b):
            pltpu.make_async_copy(zeros_hbm.at[pl.ds(0, CH)], rows[b],
                                  ssem[b]).wait()

          gs.append(pltpu.async_copy(table_hbm.at[sl].at[sidx[b]],
                                     rows[b], gsem[b]))
        for b in range(NB):
          k = kk * NB + b
          gs[b].wait()

          @pl.when(kk < NROUND - 1)
          def _(b=b, k=k):
            pltpu.async_copy(src_hbm.at[s].at[k + NB], sidx[b], isem[b])

          pltpu.async_copy(rows[b], acc.at[dstall.at[k]], ssem[b], add=True)
        return carry

      lax.fori_loop(0, NROUND, body, 0)
      for b in range(NB):
        pltpu.make_async_copy(zeros_hbm.at[pl.ds(0, CH)], rows[b],
                              ssem[b]).wait()
      plsc.subcore_barrier()

      @pl.when(s == 0)
      def _():
        pltpu.sync_copy(acc.at[pl.ds(0, 640)], out_hbm.at[sl].at[pl.ds(0, 640)])

      @pl.when(s != 0)
      def _():
        base = 640 + (s - 1) * 624
        pltpu.sync_copy(acc.at[pl.ds(base, 624)],
                        out_hbm.at[sl].at[pl.ds(base, 624)])

      plsc.subcore_barrier()

  return agg_kernel


def _mm1_body(x_ref, agg_ref, w_ref, b_ref, out_ref):
  xa = x_ref[...] + jnp.concatenate([agg_ref[0], agg_ref[1]], axis=1)
  y = jnp.dot(xa, w_ref[...], preferred_element_type=jnp.float32)
  y = y + b_ref[0]
  out_ref[...] = jnp.maximum(y, 0.0)[None]


def _mm1(x, agg1, W1, b1r):
  return pl.pallas_call(
      _mm1_body,
      grid=(MB, D_H // LW),
      in_specs=[
          pl.BlockSpec((BM, D_IN), lambda m, j: (m, 0)),
          pl.BlockSpec((2, BM, LW), lambda m, j: (0, m, 0)),
          pl.BlockSpec((D_IN, LW), lambda m, j: (0, j)),
          pl.BlockSpec((1, 1, LW), lambda m, j: (j, 0, 0)),
      ],
      out_specs=pl.BlockSpec((1, BM, LW), lambda m, j: (j, m, 0)),
      out_shape=jax.ShapeDtypeStruct((D_H // LW, N, LW), jnp.float32),
  )(x, agg1, W1, b1r)


def _mm2_body(h1_ref, agg_ref, w_ref, b_ref, batch_ref, wfc_ref, bfc_ref,
              out_ref, s_acc, c_acc):
  m = pl.program_id(0)

  @pl.when(m == 0)
  def _():
    s_acc[...] = jnp.zeros_like(s_acc)
    c_acc[...] = jnp.zeros_like(c_acc)

  hk = jnp.concatenate([h1_ref[0], h1_ref[1], h1_ref[2], h1_ref[3]], axis=1)
  ak = jnp.concatenate([agg_ref[0], agg_ref[1], agg_ref[2], agg_ref[3]],
                       axis=1)
  y = jnp.dot(hk + ak, w_ref[...], preferred_element_type=jnp.float32)
  h2 = jnp.maximum(y + b_ref[...], 0.0)

  b = batch_ref[0, 0, :]
  gids = lax.broadcasted_iota(jnp.int32, (N_GRAPHS, BM), 0)
  oh = jnp.where(b[None, :] == gids, 1.0, 0.0).astype(jnp.float32)
  s_acc[...] += jnp.dot(oh, h2, preferred_element_type=jnp.float32)
  c_acc[...] += jnp.dot(oh, jnp.ones((BM, LW), jnp.float32),
                        preferred_element_type=jnp.float32)

  @pl.when(m == MB - 1)
  def _():
    cnt = jnp.maximum(c_acc[:, 0:1], 1.0)
    pooled = s_acc[...] / cnt
    logits = jnp.dot(pooled, wfc_ref[...], preferred_element_type=jnp.float32)
    logits = logits + bfc_ref[...]
    mx = jnp.max(logits, axis=1, keepdims=True)
    z = logits - mx
    lse = jnp.log(jnp.sum(jnp.exp(z), axis=1, keepdims=True))
    out_ref[...] = z - lse


def _mm2(h1, agg2, W2, b2r, batch3, Wfc, bfcr):
  return pl.pallas_call(
      _mm2_body,
      grid=(MB,),
      in_specs=[
          pl.BlockSpec((4, BM, LW), lambda m: (0, m, 0)),
          pl.BlockSpec((4, BM, LW), lambda m: (0, m, 0)),
          pl.BlockSpec((D_H, D_H), lambda m: (0, 0)),
          pl.BlockSpec((1, D_H), lambda m: (0, 0)),
          pl.BlockSpec((1, 1, BM), lambda m: (m, 0, 0)),
          pl.BlockSpec((D_H, N_CLASSES), lambda m: (0, 0)),
          pl.BlockSpec((1, N_CLASSES), lambda m: (0, 0)),
      ],
      out_specs=pl.BlockSpec((N_GRAPHS, N_CLASSES), lambda m: (0, 0)),
      out_shape=jax.ShapeDtypeStruct((N_GRAPHS, N_CLASSES), jnp.float32),
      scratch_shapes=[
          pltpu.VMEM((N_GRAPHS, D_H), jnp.float32),
          pltpu.VMEM((N_GRAPHS, LW), jnp.float32),
      ],
  )(h1, agg2, W2, b2r, batch3, Wfc, bfcr)


def kernel(x, edge_index, batch, W1, b1, W2, b2, Wfc, bfc):
  src = edge_index[0]
  dst = edge_index[1]
  pad = E_PAD - E
  src_p = jnp.concatenate([src, jnp.zeros((pad,), jnp.int32)])
  dst_p = jnp.concatenate([dst, jnp.full((pad,), DUMMY_DST, jnp.int32)])
  src_p = src_p.reshape(NS, N_CHUNKS, CH)
  dst_p = dst_p.reshape(NS, N_CHUNKS, CH)
  zeros_acc = jnp.zeros((ACC_ROWS, LW), jnp.float32)

  x_sl = x.reshape(N, D_IN // LW, LW).transpose(1, 0, 2)
  agg1 = _make_agg(2)(x_sl, src_p, dst_p, zeros_acc)
  h1 = _mm1(x, agg1, W1, b1.reshape(D_H // LW, 1, LW))
  agg2 = _make_agg(4)(h1, src_p, dst_p, zeros_acc)
  return _mm2(h1, agg2, W2, b2.reshape(1, D_H), batch.reshape(MB, 1, BM),
              Wfc, bfc.reshape(1, N_CLASSES))

# --- scband reference (transcript-rebuilt; emitter-appended) ---
"""Pipeline reference for scband-drgnn-26319559590336 (READ-ONLY COPY).

The authoritative reference and input builder live on the scoring server;
editing this copy changes nothing except your own understanding.
"""

import jax, jax.numpy as jnp
import numpy as np

N = 10000
E = 160000
D_IN = 256
D_H = 512
N_CLASSES = 64
N_GRAPHS = 64


def setup_inputs(seed: int = 0) -> dict:
    key = jax.random.key(seed)
    ks = jax.random.split(key, 10)
    x = jax.random.normal(ks[0], (N, D_IN), dtype=jnp.float32)
    edge_index = jax.random.randint(ks[1], (2, E), 0, N, dtype=jnp.int32)
    batch = jnp.sort(jax.random.randint(ks[2], (N,), 0, N_GRAPHS, dtype=jnp.int32))
    W1 = jax.random.normal(ks[3], (D_IN, D_H), dtype=jnp.float32) * (1.0 / np.sqrt(D_IN))
    b1 = jnp.zeros((D_H,), dtype=jnp.float32)
    W2 = jax.random.normal(ks[4], (D_H, D_H), dtype=jnp.float32) * (1.0 / np.sqrt(D_H))
    b2 = jnp.zeros((D_H,), dtype=jnp.float32)
    Wfc = jax.random.normal(ks[5], (D_H, N_CLASSES), dtype=jnp.float32) * (1.0 / np.sqrt(D_H))
    bfc = jnp.zeros((N_CLASSES,), dtype=jnp.float32)
    return {"x": x, "edge_index": edge_index, "batch": batch,
            "W1": W1, "b1": b1, "W2": W2, "b2": b2, "Wfc": Wfc, "bfc": bfc}


def _gin_conv(x, src, dst, W, b):
    # GINConv with eps=0: out_i = Linear(x_i + sum_{j in N(i)} x_j)
    agg = jnp.zeros_like(x).at[dst].add(x[src])
    h = x + agg
    return h @ W + b


def reference(x, edge_index, batch, W1, b1, W2, b2, Wfc, bfc):
    src = edge_index[0]
    dst = edge_index[1]
    h = jax.nn.relu(_gin_conv(x, src, dst, W1, b1))
    h = jax.nn.relu(_gin_conv(h, src, dst, W2, b2))
    # global mean pool over graph ids in `batch`
    sums = jnp.zeros((N_GRAPHS, D_H), dtype=h.dtype).at[batch].add(h)
    counts = jnp.zeros((N_GRAPHS,), dtype=h.dtype).at[batch].add(1.0)
    pooled = sums / jnp.maximum(counts, 1.0)[:, None]
    # dropout is identity in eval / deterministic reference
    logits = pooled @ Wfc + bfc
    return jax.nn.log_softmax(logits, axis=1)

if __name__ == "__main__":
    import jax
    _d = setup_inputs()
    print(jax.jit(kernel)(*tuple(_d.values())))

</pallas_src>

<mosaic_0001>
#map = affine_map<(d0, d1) -> (0, 0, 0)>
#map1 = affine_map<(d0, d1) -> (0, 0)>
module attributes {stable_mosaic.version = 14 : i64} {
  func.func @agg_kernel(%arg0: i32, %arg1: i32, %arg2: memref<4x10000x128xf32, #tpu.memory_space<hbm>>, %arg3: memref<16x80x128xi32, #tpu.memory_space<hbm>>, %arg4: memref<16x80x128xi32, #tpu.memory_space<hbm>>, %arg5: memref<10112x128xf32, #tpu.memory_space<hbm>>, %arg6: memref<4x10000x128xf32, #tpu.memory_space<hbm>>, %arg7: memref<80x128xi32, #tpu.memory_space<vmem>>, %arg8: memref<128xi32, #tpu.memory_space<vmem>>, %arg9: memref<128xi32, #tpu.memory_space<vmem>>, %arg10: memref<128x128xf32, #tpu.memory_space<vmem>>, %arg11: memref<128x128xf32, #tpu.memory_space<vmem>>, %arg12: memref<10112x128xf32, #tpu.memory_space<vmem_shared>>, %arg13: memref<!tpu.dma_semaphore, #tpu.memory_space<semaphore_mem>>, %arg14: memref<!tpu.dma_semaphore, #tpu.memory_space<semaphore_mem>>, %arg15: memref<!tpu.dma_semaphore, #tpu.memory_space<semaphore_mem>>, %arg16: memref<!tpu.dma_semaphore, #tpu.memory_space<semaphore_mem>>, %arg17: memref<!tpu.dma_semaphore, #tpu.memory_space<semaphore_mem>>, %arg18: memref<!tpu.dma_semaphore, #tpu.memory_space<semaphore_mem>>) attributes {dimension_semantics = [#tpu.dimension_semantics<core_parallel>, #tpu.dimension_semantics<subcore_parallel>], iteration_bounds = array<i64: 2, 16>, scalar_prefetch = 0 : i64, scratch_operands = 12 : i64, tpu.core_type = #tpu.core_type<sc_vector_subcore>, window_params = [{transform_indices = #map}, {transform_indices = #map}, {transform_indices = #map}, {transform_indices = #map1}, {transform_indices = #map}]} {
    "tpu.region"() ({
      %run_scoped3A = tpu.sem_alloc : memref<!tpu.dma_semaphore, #tpu.memory_space<semaphore_mem>>
      %dma_start3A_124 = arith.constant 0 : i32
      %dma_start3A_125 = arith.constant 0 : i32
      %dma_start3A_126 = tpu.memref_slice %arg4[%arg1, %dma_start3A_124, %dma_start3A_125] : memref<16x80x128xi32, #tpu.memory_space<hbm>> -> memref<1x80x128xi32, #tpu.memory_space<hbm>>
      %dma_start3A_127 = tpu.memref_squeeze %dma_start3A_126 : memref<1x80x128xi32, #tpu.memory_space<hbm>> -> memref<80x128xi32, #tpu.memory_space<hbm>>
      %dma_start3A_128 = arith.constant 0 : i32
      %dma_start3A_129 = arith.constant 0 : i32
      %dma_start3A_130 = tpu.memref_slice %arg4[%arg1, %dma_start3A_128, %dma_start3A_129] : memref<16x80x128xi32, #tpu.memory_space<hbm>> -> memref<1x80x128xi32, #tpu.memory_space<hbm>>
      %dma_start3A_131 = tpu.memref_squeeze %dma_start3A_130 : memref<1x80x128xi32, #tpu.memory_space<hbm>> -> memref<80x128xi32, #tpu.memory_space<hbm>>
      tpu.enqueue_dma source(%dma_start3A_131 : memref<80x128xi32, #tpu.memory_space<hbm>>) target(%arg7 : memref<80x128xi32, #tpu.memory_space<vmem>>) target_semaphore(%run_scoped3A : memref<!tpu.dma_semaphore, #tpu.memory_space<semaphore_mem>>)
      %dma_wait3A_132 = arith.constant 0 : i32
      %dma_wait3A_133 = arith.constant 0 : i32
      %dma_wait3A_134 = tpu.memref_slice %arg4[%arg1, %dma_wait3A_132, %dma_wait3A_133] : memref<16x80x128xi32, #tpu.memory_space<hbm>> -> memref<1x80x128xi32, #tpu.memory_space<hbm>>
      %dma_wait3A_135 = tpu.memref_squeeze %dma_wait3A_134 : memref<1x80x128xi32, #tpu.memory_space<hbm>> -> memref<80x128xi32, #tpu.memory_space<hbm>>
      %dma_wait3A_136 = arith.constant 0 : i32
      %dma_wait3A_137 = arith.constant 0 : i32
      %dma_wait3A_138 = tpu.memref_slice %arg4[%arg1, %dma_wait3A_136, %dma_wait3A_137] : memref<16x80x128xi32, #tpu.memory_space<hbm>> -> memref<1x80x128xi32, #tpu.memory_space<hbm>>
      %dma_wait3A_139 = tpu.memref_squeeze %dma_wait3A_138 : memref<1x80x128xi32, #tpu.memory_space<hbm>> -> memref<80x128xi32, #tpu.memory_space<hbm>>
      tpu.wait_dma2 semaphore(%run_scoped3A : memref<!tpu.dma_semaphore, #tpu.memory_space<semaphore_mem>>) src(%dma_wait3A_139 : memref<80x128xi32, #tpu.memory_space<hbm>>) dst(%arg7 : memref<80x128xi32, #tpu.memory_space<vmem>>)
      tpu.yield
    }) : () -> ()
    %add3A = arith.constant 0 : i32
    %add3A_0 = arith.addi %add3A, %arg0 : i32
    %mul3A = arith.constant 632 : i32
    %mul3A_1 = arith.muli %arg1, %mul3A : i32
    %mul3A_2 = arith.constant 632 : i32
    %mul3A_3 = arith.muli %arg1, %mul3A_2 : i32
    "tpu.region"() ({
      %run_scoped3A = tpu.sem_alloc : memref<!tpu.dma_semaphore, #tpu.memory_space<semaphore_mem>>
      %dma_start3A_124 = arith.constant 0 : i32
      %dma_start3A_125 = tpu.memref_slice %arg12[%mul3A_3, %dma_start3A_124] : memref<10112x128xf32, #tpu.memory_space<vmem_shared>> -> memref<632x128xf32, #tpu.memory_space<vmem_shared>>
      %dma_start3A_126 = arith.constant 0 : i32
      %dma_start3A_127 = tpu.memref_slice %arg5[%mul3A_1, %dma_start3A_126] : memref<10112x128xf32, #tpu.memory_space<hbm>> -> memref<632x128xf32, #tpu.memory_space<hbm>>
      tpu.enqueue_dma source(%dma_start3A_127 : memref<632x128xf32, #tpu.memory_space<hbm>>) target(%dma_start3A_125 : memref<632x128xf32, #tpu.memory_space<vmem_shared>>) target_semaphore(%run_scoped3A : memref<!tpu.dma_semaphore, #tpu.memory_space<semaphore_mem>>)
      %dma_wait3A_128 = arith.constant 0 : i32
      %dma_wait3A_129 = tpu.memref_slice %arg12[%mul3A_3, %dma_wait3A_128] : memref<10112x128xf32, #tpu.memory_space<vmem_shared>> -> memref<632x128xf32, #tpu.memory_space<vmem_shared>>
      %dma_wait3A_130 = arith.constant 0 : i32
      %dma_wait3A_131 = tpu.memref_slice %arg5[%mul3A_1, %dma_wait3A_130] : memref<10112x128xf32, #tpu.memory_space<hbm>> -> memref<632x128xf32, #tpu.memory_space<hbm>>
      tpu.wait_dma2 semaphore(%run_scoped3A : memref<!tpu.dma_semaphore, #tpu.memory_space<semaphore_mem>>) src(%dma_wait3A_131 : memref<632x128xf32, #tpu.memory_space<hbm>>) dst(%dma_wait3A_129 : memref<632x128xf32, #tpu.memory_space<vmem_shared>>)
      tpu.yield
    }) : () -> ()
    %dma_start3A = arith.constant 0 : i32
    %dma_start3A_4 = arith.constant 0 : i32
    %dma_start3A_5 = arith.constant 0 : i32
    %dma_start3A_6 = tpu.memref_slice %arg3[%arg1, %dma_start3A_4, %dma_start3A_5] : memref<16x80x128xi32, #tpu.memory_space<hbm>> -> memref<1x80x128xi32, #tpu.memory_space<hbm>>
    %dma_start3A_7 = tpu.memref_squeeze %dma_start3A_6 : memref<1x80x128xi32, #tpu.memory_space<hbm>> -> memref<80x128xi32, #tpu.memory_space<hbm>>
    %dma_start3A_8 = arith.constant 0 : i32
    %dma_start3A_9 = tpu.memref_slice %dma_start3A_7[%dma_start3A, %dma_start3A_8] : memref<80x128xi32, #tpu.memory_space<hbm>> -> memref<1x128xi32, #tpu.memory_space<hbm>>
    %dma_start3A_10 = tpu.memref_squeeze %dma_start3A_9 : memref<1x128xi32, #tpu.memory_space<hbm>> -> memref<128xi32, #tpu.memory_space<hbm>>
    %dma_start3A_11 = arith.constant 0 : i32
    %dma_start3A_12 = arith.constant 0 : i32
    %dma_start3A_13 = tpu.memref_slice %arg3[%arg1, %dma_start3A_11, %dma_start3A_12] : memref<16x80x128xi32, #tpu.memory_space<hbm>> -> memref<1x80x128xi32, #tpu.memory_space<hbm>>
    %dma_start3A_14 = tpu.memref_squeeze %dma_start3A_13 : memref<1x80x128xi32, #tpu.memory_space<hbm>> -> memref<80x128xi32, #tpu.memory_space<hbm>>
    %dma_start3A_15 = arith.constant 0 : i32
    %dma_start3A_16 = tpu.memref_slice %dma_start3A_14[%dma_start3A, %dma_start3A_15] : memref<80x128xi32, #tpu.memory_space<hbm>> -> memref<1x128xi32, #tpu.memory_space<hbm>>
    %dma_start3A_17 = tpu.memref_squeeze %dma_start3A_16 : memref<1x128xi32, #tpu.memory_space<hbm>> -> memref<128xi32, #tpu.memory_space<hbm>>
    tpu.enqueue_dma source(%dma_start3A_17 : memref<128xi32, #tpu.memory_space<hbm>>) target(%arg8 : memref<128xi32, #tpu.memory_space<vmem>>) target_semaphore(%arg13 : memref<!tpu.dma_semaphore, #tpu.memory_space<semaphore_mem>>)
    %dma_start3A_18 = arith.constant 1 : i32
    %dma_start3A_19 = arith.constant 0 : i32
    %dma_start3A_20 = arith.constant 0 : i32
    %dma_start3A_21 = tpu.memref_slice %arg3[%arg1, %dma_start3A_19, %dma_start3A_20] : memref<16x80x128xi32, #tpu.memory_space<hbm>> -> memref<1x80x128xi32, #tpu.memory_space<hbm>>
    %dma_start3A_22 = tpu.memref_squeeze %dma_start3A_21 : memref<1x80x128xi32, #tpu.memory_space<hbm>> -> memref<80x128xi32, #tpu.memory_space<hbm>>
    %dma_start3A_23 = arith.constant 0 : i32
    %dma_start3A_24 = tpu.memref_slice %dma_start3A_22[%dma_start3A_18, %dma_start3A_23] : memref<80x128xi32, #tpu.memory_space<hbm>> -> memref<1x128xi32, #tpu.memory_space<hbm>>
    %dma_start3A_25 = tpu.memref_squeeze %dma_start3A_24 : memref<1x128xi32, #tpu.memory_space<hbm>> -> memref<128xi32, #tpu.memory_space<hbm>>
    %dma_start3A_26 = arith.constant 0 : i32
    %dma_start3A_27 = arith.constant 0 : i32
    %dma_start3A_28 = tpu.memref_slice %arg3[%arg1, %dma_start3A_26, %dma_start3A_27] : memref<16x80x128xi32, #tpu.memory_space<hbm>> -> memref<1x80x128xi32, #tpu.memory_space<hbm>>
    %dma_start3A_29 = tpu.memref_squeeze %dma_start3A_28 : memref<1x80x128xi32, #tpu.memory_space<hbm>> -> memref<80x128xi32, #tpu.memory_space<hbm>>
    %dma_start3A_30 = arith.constant 0 : i32
    %dma_start3A_31 = tpu.memref_slice %dma_start3A_29[%dma_start3A_18, %dma_start3A_30] : memref<80x128xi32, #tpu.memory_space<hbm>> -> memref<1x128xi32, #tpu.memory_space<hbm>>
    %dma_start3A_32 = tpu.memref_squeeze %dma_start3A_31 : memref<1x128xi32, #tpu.memory_space<hbm>> -> memref<128xi32, #tpu.memory_space<hbm>>
    tpu.enqueue_dma source(%dma_start3A_32 : memref<128xi32, #tpu.memory_space<hbm>>) target(%arg9 : memref<128xi32, #tpu.memory_space<vmem>>) target_semaphore(%arg14 : memref<!tpu.dma_semaphore, #tpu.memory_space<semaphore_mem>>)
    %barrier3A = arith.constant 0 : index
    tpu.barrier barrier_id(%barrier3A)
    %scan3A = arith.constant 0 : i32
    %scan3A_33 = arith.constant 0 : i32
    %scan3A_34 = arith.constant 40 : i32
    %scan3A_35 = arith.addi %scan3A_33, %scan3A_34 : i32
    %scan3A_36 = arith.constant 1 : i32
    scf.for %scan3A_124 = %scan3A_33 to %scan3A_35 step %scan3A_36  : i32 {
      %dma_wait3A_125 = arith.constant 0 : i32
      %dma_wait3A_126 = arith.constant 0 : i32
      %dma_wait3A_127 = arith.constant 0 : i32
      %dma_wait3A_128 = tpu.memref_slice %arg3[%arg1, %dma_wait3A_126, %dma_wait3A_127] : memref<16x80x128xi32, #tpu.memory_space<hbm>> -> memref<1x80x128xi32, #tpu.memory_space<hbm>>
      %dma_wait3A_129 = tpu.memref_squeeze %dma_wait3A_128 : memref<1x80x128xi32, #tpu.memory_space<hbm>> -> memref<80x128xi32, #tpu.memory_space<hbm>>
      %dma_wait3A_130 = arith.constant 0 : i32
      %dma_wait3A_131 = tpu.memref_slice %dma_wait3A_129[%dma_wait3A_125, %dma_wait3A_130] : memref<80x128xi32, #tpu.memory_space<hbm>> -> memref<1x128xi32, #tpu.memory_space<hbm>>
      %dma_wait3A_132 = tpu.memref_squeeze %dma_wait3A_131 : memref<1x128xi32, #tpu.memory_space<hbm>> -> memref<128xi32, #tpu.memory_space<hbm>>
      %dma_wait3A_133 = arith.constant 0 : i32
      %dma_wait3A_134 = arith.constant 0 : i32
      %dma_wait3A_135 = tpu.memref_slice %arg3[%arg1, %dma_wait3A_133, %dma_wait3A_134] : memref<16x80x128xi32, #tpu.memory_space<hbm>> -> memref<1x80x128xi32, #tpu.memory_space<hbm>>
      %dma_wait3A_136 = tpu.memref_squeeze %dma_wait3A_135 : memref<1x80x128xi32, #tpu.memory_space<hbm>> -> memref<80x128xi32, #tpu.memory_space<hbm>>
      %dma_wait3A_137 = arith.constant 0 : i32
      %dma_wait3A_138 = tpu.memref_slice %dma_wait3A_136[%dma_wait3A_125, %dma_wait3A_137] : memref<80x128xi32, #tpu.memory_space<hbm>> -> memref<1x128xi32, #tpu.memory_space<hbm>>
      %dma_wait3A_139 = tpu.memref_squeeze %dma_wait3A_138 : memref<1x128xi32, #tpu.memory_space<hbm>> -> memref<128xi32, #tpu.memory_space<hbm>>
      tpu.wait_dma2 semaphore(%arg13 : memref<!tpu.dma_semaphore, #tpu.memory_space<semaphore_mem>>) src(%dma_wait3A_139 : memref<128xi32, #tpu.memory_space<hbm>>) dst(%arg8 : memref<128xi32, #tpu.memory_space<vmem>>)
      %gt3A = arith.constant 0 : i32
      %gt3A_140 = arith.cmpi sgt, %scan3A_124, %gt3A : i32
      %convert_element_type3A_141 = arith.extui %gt3A_140 : i1 to i32
      %cond3A_142 = arith.constant 0 : i32
      %cond3A_143 = arith.cmpi ne, %convert_element_type3A_141, %cond3A_142 : i32
      scf.if %cond3A_143 {
        %dma_wait3A_221 = arith.constant 0 : i32
        %dma_wait3A_222 = arith.constant 0 : i32
        %dma_wait3A_223 = tpu.memref_slice %arg5[%dma_wait3A_221, %dma_wait3A_222] : memref<10112x128xf32, #tpu.memory_space<hbm>> -> memref<128x128xf32, #tpu.memory_space<hbm>>
        %dma_wait3A_224 = arith.constant 0 : i32
        %dma_wait3A_225 = arith.constant 0 : i32
        %dma_wait3A_226 = tpu.memref_slice %arg5[%dma_wait3A_224, %dma_wait3A_225] : memref<10112x128xf32, #tpu.memory_space<hbm>> -> memref<128x128xf32, #tpu.memory_space<hbm>>
        tpu.wait_dma2 semaphore(%arg17 : memref<!tpu.dma_semaphore, #tpu.memory_space<semaphore_mem>>) src(%dma_wait3A_226 : memref<128x128xf32, #tpu.memory_space<hbm>>) dst(%arg10 : memref<128x128xf32, #tpu.memory_space<vmem>>)
      } else {
      }
      %dma_start3A_144 = arith.constant 0 : i32
      %dma_start3A_145 = arith.constant 0 : i32
      %dma_start3A_146 = tpu.memref_slice %arg2[%add3A_0, %dma_start3A_144, %dma_start3A_145] : memref<4x10000x128xf32, #tpu.memory_space<hbm>> -> memref<1x10000x128xf32, #tpu.memory_space<hbm>>
      %dma_start3A_147 = tpu.memref_squeeze %dma_start3A_146 : memref<1x10000x128xf32, #tpu.memory_space<hbm>> -> memref<10000x128xf32, #tpu.memory_space<hbm>>
      %dma_start3A_148 = arith.constant 0 : i32
      %dma_start3A_149 = arith.constant 0 : i32
      %dma_start3A_150 = tpu.memref_slice %dma_start3A_147[%dma_start3A_148, %dma_start3A_149] : memref<10000x128xf32, #tpu.memory_space<hbm>> -> memref<10000x128xf32, #tpu.memory_space<hbm>>
      tpu.enqueue_indirect_dma source(%dma_start3A_150 : memref<10000x128xf32, #tpu.memory_space<hbm>>) target(%arg10 : memref<128x128xf32, #tpu.memory_space<vmem>>) offsets(%arg8 : memref<128xi32, #tpu.memory_space<vmem>>) semaphore(%arg15 : memref<!tpu.dma_semaphore, #tpu.memory_space<semaphore_mem>>)
      %dma_wait3A_151 = arith.constant 0 : i32
      %dma_wait3A_152 = arith.constant 0 : i32
      %dma_wait3A_153 = arith.constant 0 : i32
      %dma_wait3A_154 = tpu.memref_slice %arg3[%arg1, %dma_wait3A_152, %dma_wait3A_153] : memref<16x80x128xi32, #tpu.memory_space<hbm>> -> memref<1x80x128xi32, #tpu.memory_space<hbm>>
      %dma_wait3A_155 = tpu.memref_squeeze %dma_wait3A_154 : memref<1x80x128xi32, #tpu.memory_space<hbm>> -> memref<80x128xi32, #tpu.memory_space<hbm>>
      %dma_wait3A_156 = arith.constant 0 : i32
      %dma_wait3A_157 = tpu.memref_slice %dma_wait3A_155[%dma_wait3A_151, %dma_wait3A_156] : memref<80x128xi32, #tpu.memory_space<hbm>> -> memref<1x128xi32, #tpu.memory_space<hbm>>
      %dma_wait3A_158 = tpu.memref_squeeze %dma_wait3A_157 : memref<1x128xi32, #tpu.memory_space<hbm>> -> memref<128xi32, #tpu.memory_space<hbm>>
      %dma_wait3A_159 = arith.constant 0 : i32
      %dma_wait3A_160 = arith.constant 0 : i32
      %dma_wait3A_161 = tpu.memref_slice %arg3[%arg1, %dma_wait3A_159, %dma_wait3A_160] : memref<16x80x128xi32, #tpu.memory_space<hbm>> -> memref<1x80x128xi32, #tpu.memory_space<hbm>>
      %dma_wait3A_162 = tpu.memref_squeeze %dma_wait3A_161 : memref<1x80x128xi32, #tpu.memory_space<hbm>> -> memref<80x128xi32, #tpu.memory_space<hbm>>
      %dma_wait3A_163 = arith.constant 0 : i32
      %dma_wait3A_164 = tpu.memref_slice %dma_wait3A_162[%dma_wait3A_151, %dma_wait3A_163] : memref<80x128xi32, #tpu.memory_space<hbm>> -> memref<1x128xi32, #tpu.memory_space<hbm>>
      %dma_wait3A_165 = tpu.memref_squeeze %dma_wait3A_164 : memref<1x128xi32, #tpu.memory_space<hbm>> -> memref<128xi32, #tpu.memory_space<hbm>>
      tpu.wait_dma2 semaphore(%arg14 : memref<!tpu.dma_semaphore, #tpu.memory_space<semaphore_mem>>) src(%dma_wait3A_165 : memref<128xi32, #tpu.memory_space<hbm>>) dst(%arg9 : memref<128xi32, #tpu.memory_space<vmem>>)
      %gt3A_166 = arith.constant 0 : i32
      %gt3A_167 = arith.cmpi sgt, %scan3A_124, %gt3A_166 : i32
      %convert_element_type3A_168 = arith.extui %gt3A_167 : i1 to i32
      %cond3A_169 = arith.constant 0 : i32
      %cond3A_170 = arith.cmpi ne, %convert_element_type3A_168, %cond3A_169 : i32
      scf.if %cond3A_170 {
        %dma_wait3A_221 = arith.constant 0 : i32
        %dma_wait3A_222 = arith.constant 0 : i32
        %dma_wait3A_223 = tpu.memref_slice %arg5[%dma_wait3A_221, %dma_wait3A_222] : memref<10112x128xf32, #tpu.memory_space<hbm>> -> memref<128x128xf32, #tpu.memory_space<hbm>>
        %dma_wait3A_224 = arith.constant 0 : i32
        %dma_wait3A_225 = arith.constant 0 : i32
        %dma_wait3A_226 = tpu.memref_slice %arg5[%dma_wait3A_224, %dma_wait3A_225] : memref<10112x128xf32, #tpu.memory_space<hbm>> -> memref<128x128xf32, #tpu.memory_space<hbm>>
        tpu.wait_dma2 semaphore(%arg18 : memref<!tpu.dma_semaphore, #tpu.memory_space<semaphore_mem>>) src(%dma_wait3A_226 : memref<128x128xf32, #tpu.memory_space<hbm>>) dst(%arg11 : memref<128x128xf32, #tpu.memory_space<vmem>>)
      } else {
      }
      %dma_start3A_171 = arith.constant 0 : i32
      %dma_start3A_172 = arith.constant 0 : i32
      %dma_start3A_173 = tpu.memref_slice %arg2[%add3A_0, %dma_start3A_171, %dma_start3A_172] : memref<4x10000x128xf32, #tpu.memory_space<hbm>> -> memref<1x10000x128xf32, #tpu.memory_space<hbm>>
      %dma_start3A_174 = tpu.memref_squeeze %dma_start3A_173 : memref<1x10000x128xf32, #tpu.memory_space<hbm>> -> memref<10000x128xf32, #tpu.memory_space<hbm>>
      %dma_start3A_175 = arith.constant 0 : i32
      %dma_start3A_176 = arith.constant 0 : i32
      %dma_start3A_177 = tpu.memref_slice %dma_start3A_174[%dma_start3A_175, %dma_start3A_176] : memref<10000x128xf32, #tpu.memory_space<hbm>> -> memref<10000x128xf32, #tpu.memory_space<hbm>>
      tpu.enqueue_indirect_dma source(%dma_start3A_177 : memref<10000x128xf32, #tpu.memory_space<hbm>>) target(%arg11 : memref<128x128xf32, #tpu.memory_space<vmem>>) offsets(%arg9 : memref<128xi32, #tpu.memory_space<vmem>>) semaphore(%arg16 : memref<!tpu.dma_semaphore, #tpu.memory_space<semaphore_mem>>)
      %mul3A_178 = arith.constant 2 : i32
      %mul3A_179 = arith.muli %scan3A_124, %mul3A_178 : i32
      %add3A_180 = arith.constant 0 : i32
      %add3A_181 = arith.addi %mul3A_179, %add3A_180 : i32
      %dma_wait3A_182 = arith.constant 0 : i32
      %dma_wait3A_183 = arith.constant 0 : i32
      %dma_wait3A_184 = tpu.memref_slice %arg2[%add3A_0, %dma_wait3A_182, %dma_wait3A_183] : memref<4x10000x128xf32, #tpu.memory_space<hbm>> -> memref<1x10000x128xf32, #tpu.memory_space<hbm>>
      %dma_wait3A_185 = tpu.memref_squeeze %dma_wait3A_184 : memref<1x10000x128xf32, #tpu.memory_space<hbm>> -> memref<10000x128xf32, #tpu.memory_space<hbm>>
      %dma_wait3A_186 = arith.constant 0 : i32
      %dma_wait3A_187 = arith.constant 0 : i32
      %dma_wait3A_188 = tpu.memref_slice %dma_wait3A_185[%dma_wait3A_186, %dma_wait3A_187] : memref<10000x128xf32, #tpu.memory_space<hbm>> -> memref<10000x128xf32, #tpu.memory_space<hbm>>
      tpu.wait_indirect_dma semaphore(%arg15 : memref<!tpu.dma_semaphore, #tpu.memory_space<semaphore_mem>>) src(%dma_wait3A_188 : memref<10000x128xf32, #tpu.memory_space<hbm>>) dst(%arg10 : memref<128x128xf32, #tpu.memory_space<vmem>>)
      %lt3A = arith.constant 39 : i32
      %lt3A_189 = arith.cmpi slt, %scan3A_124, %lt3A : i32
      %convert_element_type3A_190 = arith.extui %lt3A_189 : i1 to i32
      %cond3A_191 = arith.constant 0 : i32
      %cond3A_192 = arith.cmpi ne, %convert_element_type3A_190, %cond3A_191 : i32
      scf.if %cond3A_192 {
        %add3A_221 = arith.constant 2 : i32
        %add3A_222 = arith.addi %add3A_181, %add3A_221 : i32
        %dma_start3A_223 = arith.constant 0 : i32
        %dma_start3A_224 = arith.constant 0 : i32
        %dma_start3A_225 = tpu.memref_slice %arg3[%arg1, %dma_start3A_223, %dma_start3A_224] : memref<16x80x128xi32, #tpu.memory_space<hbm>> -> memref<1x80x128xi32, #tpu.memory_space<hbm>>
        %dma_start3A_226 = tpu.memref_squeeze %dma_start3A_225 : memref<1x80x128xi32, #tpu.memory_space<hbm>> -> memref<80x128xi32, #tpu.memory_space<hbm>>
        %dma_start3A_227 = arith.constant 0 : i32
        %dma_start3A_228 = tpu.memref_slice %dma_start3A_226[%add3A_222, %dma_start3A_227] : memref<80x128xi32, #tpu.memory_space<hbm>> -> memref<1x128xi32, #tpu.memory_space<hbm>>
        %dma_start3A_229 = tpu.memref_squeeze %dma_start3A_228 : memref<1x128xi32, #tpu.memory_space<hbm>> -> memref<128xi32, #tpu.memory_space<hbm>>
        %dma_start3A_230 = arith.constant 0 : i32
        %dma_start3A_231 = arith.constant 0 : i32
        %dma_start3A_232 = tpu.memref_slice %arg3[%arg1, %dma_start3A_230, %dma_start3A_231] : memref<16x80x128xi32, #tpu.memory_space<hbm>> -> memref<1x80x128xi32, #tpu.memory_space<hbm>>
        %dma_start3A_233 = tpu.memref_squeeze %dma_start3A_232 : memref<1x80x128xi32, #tpu.memory_space<hbm>> -> memref<80x128xi32, #tpu.memory_space<hbm>>
        %dma_start3A_234 = arith.constant 0 : i32
        %dma_start3A_235 = tpu.memref_slice %dma_start3A_233[%add3A_222, %dma_start3A_234] : memref<80x128xi32, #tpu.memory_space<hbm>> -> memref<1x128xi32, #tpu.memory_space<hbm>>
        %dma_start3A_236 = tpu.memref_squeeze %dma_start3A_235 : memref<1x128xi32, #tpu.memory_space<hbm>> -> memref<128xi32, #tpu.memory_space<hbm>>
        tpu.enqueue_dma source(%dma_start3A_236 : memref<128xi32, #tpu.memory_space<hbm>>) target(%arg8 : memref<128xi32, #tpu.memory_space<vmem>>) target_semaphore(%arg13 : memref<!tpu.dma_semaphore, #tpu.memory_space<semaphore_mem>>)
      } else {
      }
      %dma_start3A_193 = arith.constant 0 : i32
      %dma_start3A_194 = tpu.memref_slice %arg7[%add3A_181, %dma_start3A_193] : memref<80x128xi32, #tpu.memory_space<vmem>> -> memref<1x128xi32, #tpu.memory_space<vmem>>
      %dma_start3A_195 = tpu.memref_squeeze %dma_start3A_194 : memref<1x128xi32, #tpu.memory_space<vmem>> -> memref<128xi32, #tpu.memory_space<vmem>>
      %dma_start3A_196 = arith.constant 0 : i32
      %dma_start3A_197 = arith.constant 0 : i32
      %dma_start3A_198 = tpu.memref_slice %arg12[%dma_start3A_196, %dma_start3A_197] : memref<10112x128xf32, #tpu.memory_space<vmem_shared>> -> memref<10112x128xf32, #tpu.memory_space<vmem_shared>>
      tpu.enqueue_indirect_dma source(%arg10 : memref<128x128xf32, #tpu.memory_space<vmem>>) target(%dma_start3A_198 : memref<10112x128xf32, #tpu.memory_space<vmem_shared>>) offsets(%dma_start3A_195 : memref<128xi32, #tpu.memory_space<vmem>>) semaphore(%arg17 : memref<!tpu.dma_semaphore, #tpu.memory_space<semaphore_mem>>) {add = true}
      %mul3A_199 = arith.constant 2 : i32
      %mul3A_200 = arith.muli %scan3A_124, %mul3A_199 : i32
      %add3A_201 = arith.constant 1 : i32
      %add3A_202 = arith.addi %mul3A_200, %add3A_201 : i32
      %dma_wait3A_203 = arith.constant 0 : i32
      %dma_wait3A_204 = arith.constant 0 : i32
      %dma_wait3A_205 = tpu.memref_slice %arg2[%add3A_0, %dma_wait3A_203, %dma_wait3A_204] : memref<4x10000x128xf32, #tpu.memory_space<hbm>> -> memref<1x10000x128xf32, #tpu.memory_space<hbm>>
      %dma_wait3A_206 = tpu.memref_squeeze %dma_wait3A_205 : memref<1x10000x128xf32, #tpu.memory_space<hbm>> -> memref<10000x128xf32, #tpu.memory_space<hbm>>
      %dma_wait3A_207 = arith.constant 0 : i32
      %dma_wait3A_208 = arith.constant 0 : i32
      %dma_wait3A_209 = tpu.memref_slice %dma_wait3A_206[%dma_wait3A_207, %dma_wait3A_208] : memref<10000x128xf32, #tpu.memory_space<hbm>> -> memref<10000x128xf32, #tpu.memory_space<hbm>>
      tpu.wait_indirect_dma semaphore(%arg16 : memref<!tpu.dma_semaphore, #tpu.memory_space<semaphore_mem>>) src(%dma_wait3A_209 : memref<10000x128xf32, #tpu.memory_space<hbm>>) dst(%arg11 : memref<128x128xf32, #tpu.memory_space<vmem>>)
      %lt3A_210 = arith.constant 39 : i32
      %lt3A_211 = arith.cmpi slt, %scan3A_124, %lt3A_210 : i32
      %convert_element_type3A_212 = arith.extui %lt3A_211 : i1 to i32
      %cond3A_213 = arith.constant 0 : i32
      %cond3A_214 = arith.cmpi ne, %convert_element_type3A_212, %cond3A_213 : i32
      scf.if %cond3A_214 {
        %add3A_221 = arith.constant 2 : i32
        %add3A_222 = arith.addi %add3A_202, %add3A_221 : i32
        %dma_start3A_223 = arith.constant 0 : i32
        %dma_start3A_224 = arith.constant 0 : i32
        %dma_start3A_225 = tpu.memref_slice %arg3[%arg1, %dma_start3A_223, %dma_start3A_224] : memref<16x80x128xi32, #tpu.memory_space<hbm>> -> memref<1x80x128xi32, #tpu.memory_space<hbm>>
        %dma_start3A_226 = tpu.memref_squeeze %dma_start3A_225 : memref<1x80x128xi32, #tpu.memory_space<hbm>> -> memref<80x128xi32, #tpu.memory_space<hbm>>
        %dma_start3A_227 = arith.constant 0 : i32
        %dma_start3A_228 = tpu.memref_slice %dma_start3A_226[%add3A_222, %dma_start3A_227] : memref<80x128xi32, #tpu.memory_space<hbm>> -> memref<1x128xi32, #tpu.memory_space<hbm>>
        %dma_start3A_229 = tpu.memref_squeeze %dma_start3A_228 : memref<1x128xi32, #tpu.memory_space<hbm>> -> memref<128xi32, #tpu.memory_space<hbm>>
        %dma_start3A_230 = arith.constant 0 : i32
        %dma_start3A_231 = arith.constant 0 : i32
        %dma_start3A_232 = tpu.memref_slice %arg3[%arg1, %dma_start3A_230, %dma_start3A_231] : memref<16x80x128xi32, #tpu.memory_space<hbm>> -> memref<1x80x128xi32, #tpu.memory_space<hbm>>
        %dma_start3A_233 = tpu.memref_squeeze %dma_start3A_232 : memref<1x80x128xi32, #tpu.memory_space<hbm>> -> memref<80x128xi32, #tpu.memory_space<hbm>>
        %dma_start3A_234 = arith.constant 0 : i32
        %dma_start3A_235 = tpu.memref_slice %dma_start3A_233[%add3A_222, %dma_start3A_234] : memref<80x128xi32, #tpu.memory_space<hbm>> -> memref<1x128xi32, #tpu.memory_space<hbm>>
        %dma_start3A_236 = tpu.memref_squeeze %dma_start3A_235 : memref<1x128xi32, #tpu.memory_space<hbm>> -> memref<128xi32, #tpu.memory_space<hbm>>
        tpu.enqueue_dma source(%dma_start3A_236 : memref<128xi32, #tpu.memory_space<hbm>>) target(%arg9 : memref<128xi32, #tpu.memory_space<vmem>>) target_semaphore(%arg14 : memref<!tpu.dma_semaphore, #tpu.memory_space<semaphore_mem>>)
      } else {
      }
      %dma_start3A_215 = arith.constant 0 : i32
      %dma_start3A_216 = tpu.memref_slice %arg7[%add3A_202, %dma_start3A_215] : memref<80x128xi32, #tpu.memory_space<vmem>> -> memref<1x128xi32, #tpu.memory_space<vmem>>
      %dma_start3A_217 = tpu.memref_squeeze %dma_start3A_216 : memref<1x128xi32, #tpu.memory_space<vmem>> -> memref<128xi32, #tpu.memory_space<vmem>>
      %dma_start3A_218 = arith.constant 0 : i32
      %dma_start3A_219 = arith.constant 0 : i32
      %dma_start3A_220 = tpu.memref_slice %arg12[%dma_start3A_218, %dma_start3A_219] : memref<10112x128xf32, #tpu.memory_space<vmem_shared>> -> memref<10112x128xf32, #tpu.memory_space<vmem_shared>>
      tpu.enqueue_indirect_dma source(%arg11 : memref<128x128xf32, #tpu.memory_space<vmem>>) target(%dma_start3A_220 : memref<10112x128xf32, #tpu.memory_space<vmem_shared>>) offsets(%dma_start3A_217 : memref<128xi32, #tpu.memory_space<vmem>>) semaphore(%arg18 : memref<!tpu.dma_semaphore, #tpu.memory_space<semaphore_mem>>) {add = true}
    }
    %scan3A_37 = arith.constant 40 : i32
    %dma_wait3A = arith.constant 0 : i32
    %dma_wait3A_38 = arith.constant 0 : i32
    %dma_wait3A_39 = tpu.memref_slice %arg5[%dma_wait3A, %dma_wait3A_38] : memref<10112x128xf32, #tpu.memory_space<hbm>> -> memref<128x128xf32, #tpu.memory_space<hbm>>
    %dma_wait3A_40 = arith.constant 0 : i32
    %dma_wait3A_41 = arith.constant 0 : i32
    %dma_wait3A_42 = tpu.memref_slice %arg5[%dma_wait3A_40, %dma_wait3A_41] : memref<10112x128xf32, #tpu.memory_space<hbm>> -> memref<128x128xf32, #tpu.memory_space<hbm>>
    tpu.wait_dma2 semaphore(%arg17 : memref<!tpu.dma_semaphore, #tpu.memory_space<semaphore_mem>>) src(%dma_wait3A_42 : memref<128x128xf32, #tpu.memory_space<hbm>>) dst(%arg10 : memref<128x128xf32, #tpu.memory_space<vmem>>)
    %dma_wait3A_43 = arith.constant 0 : i32
    %dma_wait3A_44 = arith.constant 0 : i32
    %dma_wait3A_45 = tpu.memref_slice %arg5[%dma_wait3A_43, %dma_wait3A_44] : memref<10112x128xf32, #tpu.memory_space<hbm>> -> memref<128x128xf32, #tpu.memory_space<hbm>>
    %dma_wait3A_46 = arith.constant 0 : i32
    %dma_wait3A_47 = arith.constant 0 : i32
    %dma_wait3A_48 = tpu.memref_slice %arg5[%dma_wait3A_46, %dma_wait3A_47] : memref<10112x128xf32, #tpu.memory_space<hbm>> -> memref<128x128xf32, #tpu.memory_space<hbm>>
    tpu.wait_dma2 semaphore(%arg18 : memref<!tpu.dma_semaphore, #tpu.memory_space<semaphore_mem>>) src(%dma_wait3A_48 : memref<128x128xf32, #tpu.memory_space<hbm>>) dst(%arg11 : memref<128x128xf32, #tpu.memory_space<vmem>>)
    %barrier3A_49 = arith.constant 0 : index
    tpu.barrier barrier_id(%barrier3A_49)
    %eq3A = arith.constant 0 : i32
    %eq3A_50 = arith.cmpi eq, %arg1, %eq3A : i32
    %convert_element_type3A = arith.extui %eq3A_50 : i1 to i32
    %cond3A = arith.constant 0 : i32
    %cond3A_51 = arith.cmpi ne, %convert_element_type3A, %cond3A : i32
    scf.if %cond3A_51 {
      "tpu.region"() ({
        %run_scoped3A = tpu.sem_alloc : memref<!tpu.dma_semaphore, #tpu.memory_space<semaphore_mem>>
        %dma_start3A_124 = arith.constant 0 : i32
        %dma_start3A_125 = arith.constant 0 : i32
        %dma_start3A_126 = tpu.memref_slice %arg6[%add3A_0, %dma_start3A_124, %dma_start3A_125] : memref<4x10000x128xf32, #tpu.memory_space<hbm>> -> memref<1x10000x128xf32, #tpu.memory_space<hbm>>
        %dma_start3A_127 = tpu.memref_squeeze %dma_start3A_126 : memref<1x10000x128xf32, #tpu.memory_space<hbm>> -> memref<10000x128xf32, #tpu.memory_space<hbm>>
        %dma_start3A_128 = arith.constant 0 : i32
        %dma_start3A_129 = arith.constant 0 : i32
        %dma_start3A_130 = tpu.memref_slice %dma_start3A_127[%dma_start3A_128, %dma_start3A_129] : memref<10000x128xf32, #tpu.memory_space<hbm>> -> memref<640x128xf32, #tpu.memory_space<hbm>>
        %dma_start3A_131 = arith.constant 0 : i32
        %dma_start3A_132 = arith.constant 0 : i32
        %dma_start3A_133 = tpu.memref_slice %arg12[%dma_start3A_131, %dma_start3A_132] : memref<10112x128xf32, #tpu.memory_space<vmem_shared>> -> memref<640x128xf32, #tpu.memory_space<vmem_shared>>
        tpu.enqueue_dma source(%dma_start3A_133 : memref<640x128xf32, #tpu.memory_space<vmem_shared>>) target(%dma_start3A_130 : memref<640x128xf32, #tpu.memory_space<hbm>>) target_semaphore(%run_scoped3A : memref<!tpu.dma_semaphore, #tpu.memory_space<semaphore_mem>>)
        %dma_wait3A_134 = arith.constant 0 : i32
        %dma_wait3A_135 = arith.constant 0 : i32
        %dma_wait3A_136 = tpu.memref_slice %arg6[%add3A_0, %dma_wait3A_134, %dma_wait3A_135] : memref<4x10000x128xf32, #tpu.memory_space<hbm>> -> memref<1x10000x128xf32, #tpu.memory_space<hbm>>
        %dma_wait3A_137 = tpu.memref_squeeze %dma_wait3A_136 : memref<1x10000x128xf32, #tpu.memory_space<hbm>> -> memref<10000x128xf32, #tpu.memory_space<hbm>>
        %dma_wait3A_138 = arith.constant 0 : i32
        %dma_wait3A_139 = arith.constant 0 : i32
        %dma_wait3A_140 = tpu.memref_slice %dma_wait3A_137[%dma_wait3A_138, %dma_wait3A_139] : memref<10000x128xf32, #tpu.memory_space<hbm>> -> memref<640x128xf32, #tpu.memory_space<hbm>>
        %dma_wait3A_141 = arith.constant 0 : i32
        %dma_wait3A_142 = arith.constant 0 : i32
        %dma_wait3A_143 = tpu.memref_slice %arg12[%dma_wait3A_141, %dma_wait3A_142] : memref<10112x128xf32, #tpu.memory_space<vmem_shared>> -> memref<640x128xf32, #tpu.memory_space<vmem_shared>>
        tpu.wait_dma2 semaphore(%run_scoped3A : memref<!tpu.dma_semaphore, #tpu.memory_space<semaphore_mem>>) src(%dma_wait3A_143 : memref<640x128xf32, #tpu.memory_space<vmem_shared>>) dst(%dma_wait3A_140 : memref<640x128xf32, #tpu.memory_space<hbm>>)
        tpu.yield
      }) : () -> ()
    } else {
    }
    %ne3A = arith.constant 0 : i32
    %ne3A_52 = arith.cmpi ne, %arg1, %ne3A : i32
    %convert_element_type3A_53 = arith.extui %ne3A_52 : i1 to i32
    %cond3A_54 = arith.constant 0 : i32
    %cond3A_55 = arith.cmpi ne, %convert_element_type3A_53, %cond3A_54 : i32
    scf.if %cond3A_55 {
      %sub3A = arith.constant 1 : i32
      %sub3A_124 = arith.subi %arg1, %sub3A : i32
      %mul3A_125 = arith.constant 624 : i32
      %mul3A_126 = arith.muli %sub3A_124, %mul3A_125 : i32
      %add3A_127 = arith.constant 640 : i32
      %add3A_128 = arith.addi %add3A_127, %mul3A_126 : i32
      "tpu.region"() ({
        %run_scoped3A = tpu.sem_alloc : memref<!tpu.dma_semaphore, #tpu.memory_space<semaphore_mem>>
        %dma_start3A_129 = arith.constant 0 : i32
        %dma_start3A_130 = arith.constant 0 : i32
        %dma_start3A_131 = tpu.memref_slice %arg6[%add3A_0, %dma_start3A_129, %dma_start3A_130] : memref<4x10000x128xf32, #tpu.memory_space<hbm>> -> memref<1x10000x128xf32, #tpu.memory_space<hbm>>
        %dma_start3A_132 = tpu.memref_squeeze %dma_start3A_131 : memref<1x10000x128xf32, #tpu.memory_space<hbm>> -> memref<10000x128xf32, #tpu.memory_space<hbm>>
        %dma_start3A_133 = arith.constant 0 : i32
        %dma_start3A_134 = tpu.memref_slice %dma_start3A_132[%add3A_128, %dma_start3A_133] : memref<10000x128xf32, #tpu.memory_space<hbm>> -> memref<624x128xf32, #tpu.memory_space<hbm>>
        %dma_start3A_135 = arith.constant 0 : i32
        %dma_start3A_136 = tpu.memref_slice %arg12[%add3A_128, %dma_start3A_135] : memref<10112x128xf32, #tpu.memory_space<vmem_shared>> -> memref<624x128xf32, #tpu.memory_space<vmem_shared>>
        tpu.enqueue_dma source(%dma_start3A_136 : memref<624x128xf32, #tpu.memory_space<vmem_shared>>) target(%dma_start3A_134 : memref<624x128xf32, #tpu.memory_space<hbm>>) target_semaphore(%run_scoped3A : memref<!tpu.dma_semaphore, #tpu.memory_space<semaphore_mem>>)
        %dma_wait3A_137 = arith.constant 0 : i32
        %dma_wait3A_138 = arith.constant 0 : i32
        %dma_wait3A_139 = tpu.memref_slice %arg6[%add3A_0, %dma_wait3A_137, %dma_wait3A_138] : memref<4x10000x128xf32, #tpu.memory_space<hbm>> -> memref<1x10000x128xf32, #tpu.memory_space<hbm>>
        %dma_wait3A_140 = tpu.memref_squeeze %dma_wait3A_139 : memref<1x10000x128xf32, #tpu.memory_space<hbm>> -> memref<10000x128xf32, #tpu.memory_space<hbm>>
        %dma_wait3A_141 = arith.constant 0 : i32
        %dma_wait3A_142 = tpu.memref_slice %dma_wait3A_140[%add3A_128, %dma_wait3A_141] : memref<10000x128xf32, #tpu.memory_space<hbm>> -> memref<624x128xf32, #tpu.memory_space<hbm>>
        %dma_wait3A_143 = arith.constant 0 : i32
        %dma_wait3A_144 = tpu.memref_slice %arg12[%add3A_128, %dma_wait3A_143] : memref<10112x128xf32, #tpu.memory_space<vmem_shared>> -> memref<624x128xf32, #tpu.memory_space<vmem_shared>>
        tpu.wait_dma2 semaphore(%run_scoped3A : memref<!tpu.dma_semaphore, #tpu.memory_space<semaphore_mem>>) src(%dma_wait3A_144 : memref<624x128xf32, #tpu.memory_space<vmem_shared>>) dst(%dma_wait3A_142 : memref<624x128xf32, #tpu.memory_space<hbm>>)
        tpu.yield
      }) : () -> ()
    } else {
    }
    %barrier3A_56 = arith.constant 0 : index
    tpu.barrier barrier_id(%barrier3A_56)
    %add3A_57 = arith.constant 2 : i32
    %add3A_58 = arith.addi %add3A_57, %arg0 : i32
    %mul3A_59 = arith.constant 632 : i32
    %mul3A_60 = arith.muli %arg1, %mul3A_59 : i32
    %mul3A_61 = arith.constant 632 : i32
    %mul3A_62 = arith.muli %arg1, %mul3A_61 : i32
    "tpu.region"() ({
      %run_scoped3A = tpu.sem_alloc : memref<!tpu.dma_semaphore, #tpu.memory_space<semaphore_mem>>
      %dma_start3A_124 = arith.constant 0 : i32
      %dma_start3A_125 = tpu.memref_slice %arg12[%mul3A_62, %dma_start3A_124] : memref<10112x128xf32, #tpu.memory_space<vmem_shared>> -> memref<632x128xf32, #tpu.memory_space<vmem_shared>>
      %dma_start3A_126 = arith.constant 0 : i32
      %dma_start3A_127 = tpu.memref_slice %arg5[%mul3A_60, %dma_start3A_126] : memref<10112x128xf32, #tpu.memory_space<hbm>> -> memref<632x128xf32, #tpu.memory_space<hbm>>
      tpu.enqueue_dma source(%dma_start3A_127 : memref<632x128xf32, #tpu.memory_space<hbm>>) target(%dma_start3A_125 : memref<632x128xf32, #tpu.memory_space<vmem_shared>>) target_semaphore(%run_scoped3A : memref<!tpu.dma_semaphore, #tpu.memory_space<semaphore_mem>>)
      %dma_wait3A_128 = arith.constant 0 : i32
      %dma_wait3A_129 = tpu.memref_slice %arg12[%mul3A_62, %dma_wait3A_128] : memref<10112x128xf32, #tpu.memory_space<vmem_shared>> -> memref<632x128xf32, #tpu.memory_space<vmem_shared>>
      %dma_wait3A_130 = arith.constant 0 : i32
      %dma_wait3A_131 = tpu.memref_slice %arg5[%mul3A_60, %dma_wait3A_130] : memref<10112x128xf32, #tpu.memory_space<hbm>> -> memref<632x128xf32, #tpu.memory_space<hbm>>
      tpu.wait_dma2 semaphore(%run_scoped3A : memref<!tpu.dma_semaphore, #tpu.memory_space<semaphore_mem>>) src(%dma_wait3A_131 : memref<632x128xf32, #tpu.memory_space<hbm>>) dst(%dma_wait3A_129 : memref<632x128xf32, #tpu.memory_space<vmem_shared>>)
      tpu.yield
    }) : () -> ()
    %dma_start3A_63 = arith.constant 0 : i32
    %dma_start3A_64 = arith.constant 0 : i32
    %dma_start3A_65 = arith.constant 0 : i32
    %dma_start3A_66 = tpu.memref_slice %arg3[%arg1, %dma_start3A_64, %dma_start3A_65] : memref<16x80x128xi32, #tpu.memory_space<hbm>> -> memref<1x80x128xi32, #tpu.memory_space<hbm>>
    %dma_start3A_67 = tpu.memref_squeeze %dma_start3A_66 : memref<1x80x128xi32, #tpu.memory_space<hbm>> -> memref<80x128xi32, #tpu.memory_space<hbm>>
    %dma_start3A_68 = arith.constant 0 : i32
    %dma_start3A_69 = tpu.memref_slice %dma_start3A_67[%dma_start3A_63, %dma_start3A_68] : memref<80x128xi32, #tpu.memory_space<hbm>> -> memref<1x128xi32, #tpu.memory_space<hbm>>
    %dma_start3A_70 = tpu.memref_squeeze %dma_start3A_69 : memref<1x128xi32, #tpu.memory_space<hbm>> -> memref<128xi32, #tpu.memory_space<hbm>>
    %dma_start3A_71 = arith.constant 0 : i32
    %dma_start3A_72 = arith.constant 0 : i32
    %dma_start3A_73 = tpu.memref_slice %arg3[%arg1, %dma_start3A_71, %dma_start3A_72] : memref<16x80x128xi32, #tpu.memory_space<hbm>> -> memref<1x80x128xi32, #tpu.memory_space<hbm>>
    %dma_start3A_74 = tpu.memref_squeeze %dma_start3A_73 : memref<1x80x128xi32, #tpu.memory_space<hbm>> -> memref<80x128xi32, #tpu.memory_space<hbm>>
    %dma_start3A_75 = arith.constant 0 : i32
    %dma_start3A_76 = tpu.memref_slice %dma_start3A_74[%dma_start3A_63, %dma_start3A_75] : memref<80x128xi32, #tpu.memory_space<hbm>> -> memref<1x128xi32, #tpu.memory_space<hbm>>
    %dma_start3A_77 = tpu.memref_squeeze %dma_start3A_76 : memref<1x128xi32, #tpu.memory_space<hbm>> -> memref<128xi32, #tpu.memory_space<hbm>>
    tpu.enqueue_dma source(%dma_start3A_77 : memref<128xi32, #tpu.memory_space<hbm>>) target(%arg8 : memref<128xi32, #tpu.memory_space<vmem>>) target_semaphore(%arg13 : memref<!tpu.dma_semaphore, #tpu.memory_space<semaphore_mem>>)
    %dma_start3A_78 = arith.constant 1 : i32
    %dma_start3A_79 = arith.constant 0 : i32
    %dma_start3A_80 = arith.constant 0 : i32
    %dma_start3A_81 = tpu.memref_slice %arg3[%arg1, %dma_start3A_79, %dma_start3A_80] : memref<16x80x128xi32, #tpu.memory_space<hbm>> -> memref<1x80x128xi32, #tpu.memory_space<hbm>>
    %dma_start3A_82 = tpu.memref_squeeze %dma_start3A_81 : memref<1x80x128xi32, #tpu.memory_space<hbm>> -> memref<80x128xi32, #tpu.memory_space<hbm>>
    %dma_start3A_83 = arith.constant 0 : i32
    %dma_start3A_84 = tpu.memref_slice %dma_start3A_82[%dma_start3A_78, %dma_start3A_83] : memref<80x128xi32, #tpu.memory_space<hbm>> -> memref<1x128xi32, #tpu.memory_space<hbm>>
    %dma_start3A_85 = tpu.memref_squeeze %dma_start3A_84 : memref<1x128xi32, #tpu.memory_space<hbm>> -> memref<128xi32, #tpu.memory_space<hbm>>
    %dma_start3A_86 = arith.constant 0 : i32
    %dma_start3A_87 = arith.constant 0 : i32
    %dma_start3A_88 = tpu.memref_slice %arg3[%arg1, %dma_start3A_86, %dma_start3A_87] : memref<16x80x128xi32, #tpu.memory_space<hbm>> -> memref<1x80x128xi32, #tpu.memory_space<hbm>>
    %dma_start3A_89 = tpu.memref_squeeze %dma_start3A_88 : memref<1x80x128xi32, #tpu.memory_space<hbm>> -> memref<80x128xi32, #tpu.memory_space<hbm>>
    %dma_start3A_90 = arith.constant 0 : i32
    %dma_start3A_91 = tpu.memref_slice %dma_start3A_89[%dma_start3A_78, %dma_start3A_90] : memref<80x128xi32, #tpu.memory_space<hbm>> -> memref<1x128xi32, #tpu.memory_space<hbm>>
    %dma_start3A_92 = tpu.memref_squeeze %dma_start3A_91 : memref<1x128xi32, #tpu.memory_space<hbm>> -> memref<128xi32, #tpu.memory_space<hbm>>
    tpu.enqueue_dma source(%dma_start3A_92 : memref<128xi32, #tpu.memory_space<hbm>>) target(%arg9 : memref<128xi32, #tpu.memory_space<vmem>>) target_semaphore(%arg14 : memref<!tpu.dma_semaphore, #tpu.memory_space<semaphore_mem>>)
    %barrier3A_93 = arith.constant 0 : index
    tpu.barrier barrier_id(%barrier3A_93)
    %scan3A_94 = arith.constant 0 : i32
    %scan3A_95 = arith.constant 0 : i32
    %scan3A_96 = arith.constant 40 : i32
    %scan3A_97 = arith.addi %scan3A_95, %scan3A_96 : i32
    %scan3A_98 = arith.constant 1 : i32
    scf.for %scan3A_124 = %scan3A_95 to %scan3A_97 step %scan3A_98  : i32 {
      %dma_wait3A_125 = arith.constant 0 : i32
      %dma_wait3A_126 = arith.constant 0 : i32
      %dma_wait3A_127 = arith.constant 0 : i32
      %dma_wait3A_128 = tpu.memref_slice %arg3[%arg1, %dma_wait3A_126, %dma_wait3A_127] : memref<16x80x128xi32, #tpu.memory_space<hbm>> -> memref<1x80x128xi32, #tpu.memory_space<hbm>>
      %dma_wait3A_129 = tpu.memref_squeeze %dma_wait3A_128 : memref<1x80x128xi32, #tpu.memory_space<hbm>> -> memref<80x128xi32, #tpu.memory_space<hbm>>
      %dma_wait3A_130 = arith.constant 0 : i32
      %dma_wait3A_131 = tpu.memref_slice %dma_wait3A_129[%dma_wait3A_125, %dma_wait3A_130] : memref<80x128xi32, #tpu.memory_space<hbm>> -> memref<1x128xi32, #tpu.memory_space<hbm>>
      %dma_wait3A_132 = tpu.memref_squeeze %dma_wait3A_131 : memref<1x128xi32, #tpu.memory_space<hbm>> -> memref<128xi32, #tpu.memory_space<hbm>>
      %dma_wait3A_133 = arith.constant 0 : i32
      %dma_wait3A_134 = arith.constant 0 : i32
      %dma_wait3A_135 = tpu.memref_slice %arg3[%arg1, %dma_wait3A_133, %dma_wait3A_134] : memref<16x80x128xi32, #tpu.memory_space<hbm>> -> memref<1x80x128xi32, #tpu.memory_space<hbm>>
      %dma_wait3A_136 = tpu.memref_squeeze %dma_wait3A_135 : memref<1x80x128xi32, #tpu.memory_space<hbm>> -> memref<80x128xi32, #tpu.memory_space<hbm>>
      %dma_wait3A_137 = arith.constant 0 : i32
      %dma_wait3A_138 = tpu.memref_slice %dma_wait3A_136[%dma_wait3A_125, %dma_wait3A_137] : memref<80x128xi32, #tpu.memory_space<hbm>> -> memref<1x128xi32, #tpu.memory_space<hbm>>
      %dma_wait3A_139 = tpu.memref_squeeze %dma_wait3A_138 : memref<1x128xi32, #tpu.memory_space<hbm>> -> memref<128xi32, #tpu.memory_space<hbm>>
      tpu.wait_dma2 semaphore(%arg13 : memref<!tpu.dma_semaphore, #tpu.memory_space<semaphore_mem>>) src(%dma_wait3A_139 : memref<128xi32, #tpu.memory_space<hbm>>) dst(%arg8 : memref<128xi32, #tpu.memory_space<vmem>>)
      %gt3A = arith.constant 0 : i32
      %gt3A_140 = arith.cmpi sgt, %scan3A_124, %gt3A : i32
      %convert_element_type3A_141 = arith.extui %gt3A_140 : i1 to i32
      %cond3A_142 = arith.constant 0 : i32
      %cond3A_143 = arith.cmpi ne, %convert_element_type3A_141, %cond3A_142 : i32
      scf.if %cond3A_143 {
        %dma_wait3A_221 = arith.constant 0 : i32
        %dma_wait3A_222 = arith.constant 0 : i32
        %dma_wait3A_223 = tpu.memref_slice %arg5[%dma_wait3A_221, %dma_wait3A_222] : memref<10112x128xf32, #tpu.memory_space<hbm>> -> memref<128x128xf32, #tpu.memory_space<hbm>>
        %dma_wait3A_224 = arith.constant 0 : i32
        %dma_wait3A_225 = arith.constant 0 : i32
        %dma_wait3A_226 = tpu.memref_slice %arg5[%dma_wait3A_224, %dma_wait3A_225] : memref<10112x128xf32, #tpu.memory_space<hbm>> -> memref<128x128xf32, #tpu.memory_space<hbm>>
        tpu.wait_dma2 semaphore(%arg17 : memref<!tpu.dma_semaphore, #tpu.memory_space<semaphore_mem>>) src(%dma_wait3A_226 : memref<128x128xf32, #tpu.memory_space<hbm>>) dst(%arg10 : memref<128x128xf32, #tpu.memory_space<vmem>>)
      } else {
      }
      %dma_start3A_144 = arith.constant 0 : i32
      %dma_start3A_145 = arith.constant 0 : i32
      %dma_start3A_146 = tpu.memref_slice %arg2[%add3A_58, %dma_start3A_144, %dma_start3A_145] : memref<4x10000x128xf32, #tpu.memory_space<hbm>> -> memref<1x10000x128xf32, #tpu.memory_space<hbm>>
      %dma_start3A_147 = tpu.memref_squeeze %dma_start3A_146 : memref<1x10000x128xf32, #tpu.memory_space<hbm>> -> memref<10000x128xf32, #tpu.memory_space<hbm>>
      %dma_start3A_148 = arith.constant 0 : i32
      %dma_start3A_149 = arith.constant 0 : i32
      %dma_start3A_150 = tpu.memref_slice %dma_start3A_147[%dma_start3A_148, %dma_start3A_149] : memref<10000x128xf32, #tpu.memory_space<hbm>> -> memref<10000x128xf32, #tpu.memory_space<hbm>>
      tpu.enqueue_indirect_dma source(%dma_start3A_150 : memref<10000x128xf32, #tpu.memory_space<hbm>>) target(%arg10 : memref<128x128xf32, #tpu.memory_space<vmem>>) offsets(%arg8 : memref<128xi32, #tpu.memory_space<vmem>>) semaphore(%arg15 : memref<!tpu.dma_semaphore, #tpu.memory_space<semaphore_mem>>)
      %dma_wait3A_151 = arith.constant 0 : i32
      %dma_wait3A_152 = arith.constant 0 : i32
      %dma_wait3A_153 = arith.constant 0 : i32
      %dma_wait3A_154 = tpu.memref_slice %arg3[%arg1, %dma_wait3A_152, %dma_wait3A_153] : memref<16x80x128xi32, #tpu.memory_space<hbm>> -> memref<1x80x128xi32, #tpu.memory_space<hbm>>
      %dma_wait3A_155 = tpu.memref_squeeze %dma_wait3A_154 : memref<1x80x128xi32, #tpu.memory_space<hbm>> -> memref<80x128xi32, #tpu.memory_space<hbm>>
      %dma_wait3A_156 = arith.constant 0 : i32
      %dma_wait3A_157 = tpu.memref_slice %dma_wait3A_155[%dma_wait3A_151, %dma_wait3A_156] : memref<80x128xi32, #tpu.memory_space<hbm>> -> memref<1x128xi32, #tpu.memory_space<hbm>>
      %dma_wait3A_158 = tpu.memref_squeeze %dma_wait3A_157 : memref<1x128xi32, #tpu.memory_space<hbm>> -> memref<128xi32, #tpu.memory_space<hbm>>
      %dma_wait3A_159 = arith.constant 0 : i32
      %dma_wait3A_160 = arith.constant 0 : i32
      %dma_wait3A_161 = tpu.memref_slice %arg3[%arg1, %dma_wait3A_159, %dma_wait3A_160] : memref<16x80x128xi32, #tpu.memory_space<hbm>> -> memref<1x80x128xi32, #tpu.memory_space<hbm>>
      %dma_wait3A_162 = tpu.memref_squeeze %dma_wait3A_161 : memref<1x80x128xi32, #tpu.memory_space<hbm>> -> memref<80x128xi32, #tpu.memory_space<hbm>>
      %dma_wait3A_163 = arith.constant 0 : i32
      %dma_wait3A_164 = tpu.memref_slice %dma_wait3A_162[%dma_wait3A_151, %dma_wait3A_163] : memref<80x128xi32, #tpu.memory_space<hbm>> -> memref<1x128xi32, #tpu.memory_space<hbm>>
      %dma_wait3A_165 = tpu.memref_squeeze %dma_wait3A_164 : memref<1x128xi32, #tpu.memory_space<hbm>> -> memref<128xi32, #tpu.memory_space<hbm>>
      tpu.wait_dma2 semaphore(%arg14 : memref<!tpu.dma_semaphore, #tpu.memory_space<semaphore_mem>>) src(%dma_wait3A_165 : memref<128xi32, #tpu.memory_space<hbm>>) dst(%arg9 : memref<128xi32, #tpu.memory_space<vmem>>)
      %gt3A_166 = arith.constant 0 : i32
      %gt3A_167 = arith.cmpi sgt, %scan3A_124, %gt3A_166 : i32
      %convert_element_type3A_168 = arith.extui %gt3A_167 : i1 to i32
      %cond3A_169 = arith.constant 0 : i32
      %cond3A_170 = arith.cmpi ne, %convert_element_type3A_168, %cond3A_169 : i32
      scf.if %cond3A_170 {
        %dma_wait3A_221 = arith.constant 0 : i32
        %dma_wait3A_222 = arith.constant 0 : i32
        %dma_wait3A_223 = tpu.memref_slice %arg5[%dma_wait3A_221, %dma_wait3A_222] : memref<10112x128xf32, #tpu.memory_space<hbm>> -> memref<128x128xf32, #tpu.memory_space<hbm>>
        %dma_wait3A_224 = arith.constant 0 : i32
        %dma_wait3A_225 = arith.constant 0 : i32
        %dma_wait3A_226 = tpu.memref_slice %arg5[%dma_wait3A_224, %dma_wait3A_225] : memref<10112x128xf32, #tpu.memory_space<hbm>> -> memref<128x128xf32, #tpu.memory_space<hbm>>
        tpu.wait_dma2 semaphore(%arg18 : memref<!tpu.dma_semaphore, #tpu.memory_space<semaphore_mem>>) src(%dma_wait3A_226 : memref<128x128xf32, #tpu.memory_space<hbm>>) dst(%arg11 : memref<128x128xf32, #tpu.memory_space<vmem>>)
      } else {
      }
      %dma_start3A_171 = arith.constant 0 : i32
      %dma_start3A_172 = arith.constant 0 : i32
      %dma_start3A_173 = tpu.memref_slice %arg2[%add3A_58, %dma_start3A_171, %dma_start3A_172] : memref<4x10000x128xf32, #tpu.memory_space<hbm>> -> memref<1x10000x128xf32, #tpu.memory_space<hbm>>
      %dma_start3A_174 = tpu.memref_squeeze %dma_start3A_173 : memref<1x10000x128xf32, #tpu.memory_space<hbm>> -> memref<10000x128xf32, #tpu.memory_space<hbm>>
      %dma_start3A_175 = arith.constant 0 : i32
      %dma_start3A_176 = arith.constant 0 : i32
      %dma_start3A_177 = tpu.memref_slice %dma_start3A_174[%dma_start3A_175, %dma_start3A_176] : memref<10000x128xf32, #tpu.memory_space<hbm>> -> memref<10000x128xf32, #tpu.memory_space<hbm>>
      tpu.enqueue_indirect_dma source(%dma_start3A_177 : memref<10000x128xf32, #tpu.memory_space<hbm>>) target(%arg11 : memref<128x128xf32, #tpu.memory_space<vmem>>) offsets(%arg9 : memref<128xi32, #tpu.memory_space<vmem>>) semaphore(%arg16 : memref<!tpu.dma_semaphore, #tpu.memory_space<semaphore_mem>>)
      %mul3A_178 = arith.constant 2 : i32
      %mul3A_179 = arith.muli %scan3A_124, %mul3A_178 : i32
      %add3A_180 = arith.constant 0 : i32
      %add3A_181 = arith.addi %mul3A_179, %add3A_180 : i32
      %dma_wait3A_182 = arith.constant 0 : i32
      %dma_wait3A_183 = arith.constant 0 : i32
      %dma_wait3A_184 = tpu.memref_slice %arg2[%add3A_58, %dma_wait3A_182, %dma_wait3A_183] : memref<4x10000x128xf32, #tpu.memory_space<hbm>> -> memref<1x10000x128xf32, #tpu.memory_space<hbm>>
      %dma_wait3A_185 = tpu.memref_squeeze %dma_wait3A_184 : memref<1x10000x128xf32, #tpu.memory_space<hbm>> -> memref<10000x128xf32, #tpu.memory_space<hbm>>
      %dma_wait3A_186 = arith.constant 0 : i32
      %dma_wait3A_187 = arith.constant 0 : i32
      %dma_wait3A_188 = tpu.memref_slice %dma_wait3A_185[%dma_wait3A_186, %dma_wait3A_187] : memref<10000x128xf32, #tpu.memory_space<hbm>> -> memref<10000x128xf32, #tpu.memory_space<hbm>>
      tpu.wait_indirect_dma semaphore(%arg15 : memref<!tpu.dma_semaphore, #tpu.memory_space<semaphore_mem>>) src(%dma_wait3A_188 : memref<10000x128xf32, #tpu.memory_space<hbm>>) dst(%arg10 : memref<128x128xf32, #tpu.memory_space<vmem>>)
      %lt3A = arith.constant 39 : i32
      %lt3A_189 = arith.cmpi slt, %scan3A_124, %lt3A : i32
      %convert_element_type3A_190 = arith.extui %lt3A_189 : i1 to i32
      %cond3A_191 = arith.constant 0 : i32
      %cond3A_192 = arith.cmpi ne, %convert_element_type3A_190, %cond3A_191 : i32
      scf.if %cond3A_192 {
        %add3A_221 = arith.constant 2 : i32
        %add3A_222 = arith.addi %add3A_181, %add3A_221 : i32
        %dma_start3A_223 = arith.constant 0 : i32
        %dma_start3A_224 = arith.constant 0 : i32
        %dma_start3A_225 = tpu.memref_slice %arg3[%arg1, %dma_start3A_223, %dma_start3A_224] : memref<16x80x128xi32, #tpu.memory_space<hbm>> -> memref<1x80x128xi32, #tpu.memory_space<hbm>>
        %dma_start3A_226 = tpu.memref_squeeze %dma_start3A_225 : memref<1x80x128xi32, #tpu.memory_space<hbm>> -> memref<80x128xi32, #tpu.memory_space<hbm>>
        %dma_start3A_227 = arith.constant 0 : i32
        %dma_start3A_228 = tpu.memref_slice %dma_start3A_226[%add3A_222, %dma_start3A_227] : memref<80x128xi32, #tpu.memory_space<hbm>> -> memref<1x128xi32, #tpu.memory_space<hbm>>
        %dma_start3A_229 = tpu.memref_squeeze %dma_start3A_228 : memref<1x128xi32, #tpu.memory_space<hbm>> -> memref<128xi32, #tpu.memory_space<hbm>>
        %dma_start3A_230 = arith.constant 0 : i32
        %dma_start3A_231 = arith.constant 0 : i32
        %dma_start3A_232 = tpu.memref_slice %arg3[%arg1, %dma_start3A_230, %dma_start3A_231] : memref<16x80x128xi32, #tpu.memory_space<hbm>> -> memref<1x80x128xi32, #tpu.memory_space<hbm>>
        %dma_start3A_233 = tpu.memref_squeeze %dma_start3A_232 : memref<1x80x128xi32, #tpu.memory_space<hbm>> -> memref<80x128xi32, #tpu.memory_space<hbm>>
        %dma_start3A_234 = arith.constant 0 : i32
        %dma_start3A_235 = tpu.memref_slice %dma_start3A_233[%add3A_222, %dma_start3A_234] : memref<80x128xi32, #tpu.memory_space<hbm>> -> memref<1x128xi32, #tpu.memory_space<hbm>>
        %dma_start3A_236 = tpu.memref_squeeze %dma_start3A_235 : memref<1x128xi32, #tpu.memory_space<hbm>> -> memref<128xi32, #tpu.memory_space<hbm>>
        tpu.enqueue_dma source(%dma_start3A_236 : memref<128xi32, #tpu.memory_space<hbm>>) target(%arg8 : memref<128xi32, #tpu.memory_space<vmem>>) target_semaphore(%arg13 : memref<!tpu.dma_semaphore, #tpu.memory_space<semaphore_mem>>)
      } else {
      }
      %dma_start3A_193 = arith.constant 0 : i32
      %dma_start3A_194 = tpu.memref_slice %arg7[%add3A_181, %dma_start3A_193] : memref<80x128xi32, #tpu.memory_space<vmem>> -> memref<1x128xi32, #tpu.memory_space<vmem>>
      %dma_start3A_195 = tpu.memref_squeeze %dma_start3A_194 : memref<1x128xi32, #tpu.memory_space<vmem>> -> memref<128xi32, #tpu.memory_space<vmem>>
      %dma_start3A_196 = arith.constant 0 : i32
      %dma_start3A_197 = arith.constant 0 : i32
      %dma_start3A_198 = tpu.memref_slice %arg12[%dma_start3A_196, %dma_start3A_197] : memref<10112x128xf32, #tpu.memory_space<vmem_shared>> -> memref<10112x128xf32, #tpu.memory_space<vmem_shared>>
      tpu.enqueue_indirect_dma source(%arg10 : memref<128x128xf32, #tpu.memory_space<vmem>>) target(%dma_start3A_198 : memref<10112x128xf32, #tpu.memory_space<vmem_shared>>) offsets(%dma_start3A_195 : memref<128xi32, #tpu.memory_space<vmem>>) semaphore(%arg17 : memref<!tpu.dma_semaphore, #tpu.memory_space<semaphore_mem>>) {add = true}
      %mul3A_199 = arith.constant 2 : i32
      %mul3A_200 = arith.muli %scan3A_124, %mul3A_199 : i32
      %add3A_201 = arith.constant 1 : i32
      %add3A_202 = arith.addi %mul3A_200, %add3A_201 : i32
      %dma_wait3A_203 = arith.constant 0 : i32
      %dma_wait3A_204 = arith.constant 0 : i32
      %dma_wait3A_205 = tpu.memref_slice %arg2[%add3A_58, %dma_wait3A_203, %dma_wait3A_204] : memref<4x10000x128xf32, #tpu.memory_space<hbm>> -> memref<1x10000x128xf32, #tpu.memory_space<hbm>>
      %dma_wait3A_206 = tpu.memref_squeeze %dma_wait3A_205 : memref<1x10000x128xf32, #tpu.memory_space<hbm>> -> memref<10000x128xf32, #tpu.memory_space<hbm>>
      %dma_wait3A_207 = arith.constant 0 : i32
      %dma_wait3A_208 = arith.constant 0 : i32
      %dma_wait3A_209 = tpu.memref_slice %dma_wait3A_206[%dma_wait3A_207, %dma_wait3A_208] : memref<10000x128xf32, #tpu.memory_space<hbm>> -> memref<10000x128xf32, #tpu.memory_space<hbm>>
      tpu.wait_indirect_dma semaphore(%arg16 : memref<!tpu.dma_semaphore, #tpu.memory_space<semaphore_mem>>) src(%dma_wait3A_209 : memref<10000x128xf32, #tpu.memory_space<hbm>>) dst(%arg11 : memref<128x128xf32, #tpu.memory_space<vmem>>)
      %lt3A_210 = arith.constant 39 : i32
      %lt3A_211 = arith.cmpi slt, %scan3A_124, %lt3A_210 : i32
      %convert_element_type3A_212 = arith.extui %lt3A_211 : i1 to i32
      %cond3A_213 = arith.constant 0 : i32
      %cond3A_214 = arith.cmpi ne, %convert_element_type3A_212, %cond3A_213 : i32
      scf.if %cond3A_214 {
        %add3A_221 = arith.constant 2 : i32
        %add3A_222 = arith.addi %add3A_202, %add3A_221 : i32
        %dma_start3A_223 = arith.constant 0 : i32
        %dma_start3A_224 = arith.constant 0 : i32
        %dma_start3A_225 = tpu.memref_slice %arg3[%arg1, %dma_start3A_223, %dma_start3A_224] : memref<16x80x128xi32, #tpu.memory_space<hbm>> -> memref<1x80x128xi32, #tpu.memory_space<hbm>>
        %dma_start3A_226 = tpu.memref_squeeze %dma_start3A_225 : memref<1x80x128xi32, #tpu.memory_space<hbm>> -> memref<80x128xi32, #tpu.memory_space<hbm>>
        %dma_start3A_227 = arith.constant 0 : i32
        %dma_start3A_228 = tpu.memref_slice %dma_start3A_226[%add3A_222, %dma_start3A_227] : memref<80x128xi32, #tpu.memory_space<hbm>> -> memref<1x128xi32, #tpu.memory_space<hbm>>
        %dma_start3A_229 = tpu.memref_squeeze %dma_start3A_228 : memref<1x128xi32, #tpu.memory_space<hbm>> -> memref<128xi32, #tpu.memory_space<hbm>>
        %dma_start3A_230 = arith.constant 0 : i32
        %dma_start3A_231 = arith.constant 0 : i32
        %dma_start3A_232 = tpu.memref_slice %arg3[%arg1, %dma_start3A_230, %dma_start3A_231] : memref<16x80x128xi32, #tpu.memory_space<hbm>> -> memref<1x80x128xi32, #tpu.memory_space<hbm>>
        %dma_start3A_233 = tpu.memref_squeeze %dma_start3A_232 : memref<1x80x128xi32, #tpu.memory_space<hbm>> -> memref<80x128xi32, #tpu.memory_space<hbm>>
        %dma_start3A_234 = arith.constant 0 : i32
        %dma_start3A_235 = tpu.memref_slice %dma_start3A_233[%add3A_222, %dma_start3A_234] : memref<80x128xi32, #tpu.memory_space<hbm>> -> memref<1x128xi32, #tpu.memory_space<hbm>>
        %dma_start3A_236 = tpu.memref_squeeze %dma_start3A_235 : memref<1x128xi32, #tpu.memory_space<hbm>> -> memref<128xi32, #tpu.memory_space<hbm>>
        tpu.enqueue_dma source(%dma_start3A_236 : memref<128xi32, #tpu.memory_space<hbm>>) target(%arg9 : memref<128xi32, #tpu.memory_space<vmem>>) target_semaphore(%arg14 : memref<!tpu.dma_semaphore, #tpu.memory_space<semaphore_mem>>)
      } else {
      }
      %dma_start3A_215 = arith.constant 0 : i32
      %dma_start3A_216 = tpu.memref_slice %arg7[%add3A_202, %dma_start3A_215] : memref<80x128xi32, #tpu.memory_space<vmem>> -> memref<1x128xi32, #tpu.memory_space<vmem>>
      %dma_start3A_217 = tpu.memref_squeeze %dma_start3A_216 : memref<1x128xi32, #tpu.memory_space<vmem>> -> memref<128xi32, #tpu.memory_space<vmem>>
      %dma_start3A_218 = arith.constant 0 : i32
      %dma_start3A_219 = arith.constant 0 : i32
      %dma_start3A_220 = tpu.memref_slice %arg12[%dma_start3A_218, %dma_start3A_219] : memref<10112x128xf32, #tpu.memory_space<vmem_shared>> -> memref<10112x128xf32, #tpu.memory_space<vmem_shared>>
      tpu.enqueue_indirect_dma source(%arg11 : memref<128x128xf32, #tpu.memory_space<vmem>>) target(%dma_start3A_220 : memref<10112x128xf32, #tpu.memory_space<vmem_shared>>) offsets(%dma_start3A_217 : memref<128xi32, #tpu.memory_space<vmem>>) semaphore(%arg18 : memref<!tpu.dma_semaphore, #tpu.memory_space<semaphore_mem>>) {add = true}
    }
    %scan3A_99 = arith.constant 40 : i32
    %dma_wait3A_100 = arith.constant 0 : i32
    %dma_wait3A_101 = arith.constant 0 : i32
    %dma_wait3A_102 = tpu.memref_slice %arg5[%dma_wait3A_100, %dma_wait3A_101] : memref<10112x128xf32, #tpu.memory_space<hbm>> -> memref<128x128xf32, #tpu.memory_space<hbm>>
    %dma_wait3A_103 = arith.constant 0 : i32
    %dma_wait3A_104 = arith.constant 0 : i32
    %dma_wait3A_105 = tpu.memref_slice %arg5[%dma_wait3A_103, %dma_wait3A_104] : memref<10112x128xf32, #tpu.memory_space<hbm>> -> memref<128x128xf32, #tpu.memory_space<hbm>>
    tpu.wait_dma2 semaphore(%arg17 : memref<!tpu.dma_semaphore, #tpu.memory_space<semaphore_mem>>) src(%dma_wait3A_105 : memref<128x128xf32, #tpu.memory_space<hbm>>) dst(%arg10 : memref<128x128xf32, #tpu.memory_space<vmem>>)
    %dma_wait3A_106 = arith.constant 0 : i32
    %dma_wait3A_107 = arith.constant 0 : i32
    %dma_wait3A_108 = tpu.memref_slice %arg5[%dma_wait3A_106, %dma_wait3A_107] : memref<10112x128xf32, #tpu.memory_space<hbm>> -> memref<128x128xf32, #tpu.memory_space<hbm>>
    %dma_wait3A_109 = arith.constant 0 : i32
    %dma_wait3A_110 = arith.constant 0 : i32
    %dma_wait3A_111 = tpu.memref_slice %arg5[%dma_wait3A_109, %dma_wait3A_110] : memref<10112x128xf32, #tpu.memory_space<hbm>> -> memref<128x128xf32, #tpu.memory_space<hbm>>
    tpu.wait_dma2 semaphore(%arg18 : memref<!tpu.dma_semaphore, #tpu.memory_space<semaphore_mem>>) src(%dma_wait3A_111 : memref<128x128xf32, #tpu.memory_space<hbm>>) dst(%arg11 : memref<128x128xf32, #tpu.memory_space<vmem>>)
    %barrier3A_112 = arith.constant 0 : index
    tpu.barrier barrier_id(%barrier3A_112)
    %eq3A_113 = arith.constant 0 : i32
    %eq3A_114 = arith.cmpi eq, %arg1, %eq3A_113 : i32
    %convert_element_type3A_115 = arith.extui %eq3A_114 : i1 to i32
    %cond3A_116 = arith.constant 0 : i32
    %cond3A_117 = arith.cmpi ne, %convert_element_type3A_115, %cond3A_116 : i32
    scf.if %cond3A_117 {
      "tpu.region"() ({
        %run_scoped3A = tpu.sem_alloc : memref<!tpu.dma_semaphore, #tpu.memory_space<semaphore_mem>>
        %dma_start3A_124 = arith.constant 0 : i32
        %dma_start3A_125 = arith.constant 0 : i32
        %dma_start3A_126 = tpu.memref_slice %arg6[%add3A_58, %dma_start3A_124, %dma_start3A_125] : memref<4x10000x128xf32, #tpu.memory_space<hbm>> -> memref<1x10000x128xf32, #tpu.memory_space<hbm>>
        %dma_start3A_127 = tpu.memref_squeeze %dma_start3A_126 : memref<1x10000x128xf32, #tpu.memory_space<hbm>> -> memref<10000x128xf32, #tpu.memory_space<hbm>>
        %dma_start3A_128 = arith.constant 0 : i32
        %dma_start3A_129 = arith.constant 0 : i32
        %dma_start3A_130 = tpu.memref_slice %dma_start3A_127[%dma_start3A_128, %dma_start3A_129] : memref<10000x128xf32, #tpu.memory_space<hbm>> -> memref<640x128xf32, #tpu.memory_space<hbm>>
        %dma_start3A_131 = arith.constant 0 : i32
        %dma_start3A_132 = arith.constant 0 : i32
        %dma_start3A_133 = tpu.memref_slice %arg12[%dma_start3A_131, %dma_start3A_132] : memref<10112x128xf32, #tpu.memory_space<vmem_shared>> -> memref<640x128xf32, #tpu.memory_space<vmem_shared>>
        tpu.enqueue_dma source(%dma_start3A_133 : memref<640x128xf32, #tpu.memory_space<vmem_shared>>) target(%dma_start3A_130 : memref<640x128xf32, #tpu.memory_space<hbm>>) target_semaphore(%run_scoped3A : memref<!tpu.dma_semaphore, #tpu.memory_space<semaphore_mem>>)
        %dma_wait3A_134 = arith.constant 0 : i32
        %dma_wait3A_135 = arith.constant 0 : i32
        %dma_wait3A_136 = tpu.memref_slice %arg6[%add3A_58, %dma_wait3A_134, %dma_wait3A_135] : memref<4x10000x128xf32, #tpu.memory_space<hbm>> -> memref<1x10000x128xf32, #tpu.memory_space<hbm>>
        %dma_wait3A_137 = tpu.memref_squeeze %dma_wait3A_136 : memref<1x10000x128xf32, #tpu.memory_space<hbm>> -> memref<10000x128xf32, #tpu.memory_space<hbm>>
        %dma_wait3A_138 = arith.constant 0 : i32
        %dma_wait3A_139 = arith.constant 0 : i32
        %dma_wait3A_140 = tpu.memref_slice %dma_wait3A_137[%dma_wait3A_138, %dma_wait3A_139] : memref<10000x128xf32, #tpu.memory_space<hbm>> -> memref<640x128xf32, #tpu.memory_space<hbm>>
        %dma_wait3A_141 = arith.constant 0 : i32
        %dma_wait3A_142 = arith.constant 0 : i32
        %dma_wait3A_143 = tpu.memref_slice %arg12[%dma_wait3A_141, %dma_wait3A_142] : memref<10112x128xf32, #tpu.memory_space<vmem_shared>> -> memref<640x128xf32, #tpu.memory_space<vmem_shared>>
        tpu.wait_dma2 semaphore(%run_scoped3A : memref<!tpu.dma_semaphore, #tpu.memory_space<semaphore_mem>>) src(%dma_wait3A_143 : memref<640x128xf32, #tpu.memory_space<vmem_shared>>) dst(%dma_wait3A_140 : memref<640x128xf32, #tpu.memory_space<hbm>>)
        tpu.yield
      }) : () -> ()
    } else {
    }
    %ne3A_118 = arith.constant 0 : i32
    %ne3A_119 = arith.cmpi ne, %arg1, %ne3A_118 : i32
    %convert_element_type3A_120 = arith.extui %ne3A_119 : i1 to i32
    %cond3A_121 = arith.constant 0 : i32
    %cond3A_122 = arith.cmpi ne, %convert_element_type3A_120, %cond3A_121 : i32
    scf.if %cond3A_122 {
      %sub3A = arith.constant 1 : i32
      %sub3A_124 = arith.subi %arg1, %sub3A : i32
      %mul3A_125 = arith.constant 624 : i32
      %mul3A_126 = arith.muli %sub3A_124, %mul3A_125 : i32
      %add3A_127 = arith.constant 640 : i32
      %add3A_128 = arith.addi %add3A_127, %mul3A_126 : i32
      "tpu.region"() ({
        %run_scoped3A = tpu.sem_alloc : memref<!tpu.dma_semaphore, #tpu.memory_space<semaphore_mem>>
        %dma_start3A_129 = arith.constant 0 : i32
        %dma_start3A_130 = arith.constant 0 : i32
        %dma_start3A_131 = tpu.memref_slice %arg6[%add3A_58, %dma_start3A_129, %dma_start3A_130] : memref<4x10000x128xf32, #tpu.memory_space<hbm>> -> memref<1x10000x128xf32, #tpu.memory_space<hbm>>
        %dma_start3A_132 = tpu.memref_squeeze %dma_start3A_131 : memref<1x10000x128xf32, #tpu.memory_space<hbm>> -> memref<10000x128xf32, #tpu.memory_space<hbm>>
        %dma_start3A_133 = arith.constant 0 : i32
        %dma_start3A_134 = tpu.memref_slice %dma_start3A_132[%add3A_128, %dma_start3A_133] : memref<10000x128xf32, #tpu.memory_space<hbm>> -> memref<624x128xf32, #tpu.memory_space<hbm>>
        %dma_start3A_135 = arith.constant 0 : i32
        %dma_start3A_136 = tpu.memref_slice %arg12[%add3A_128, %dma_start3A_135] : memref<10112x128xf32, #tpu.memory_space<vmem_shared>> -> memref<624x128xf32, #tpu.memory_space<vmem_shared>>
        tpu.enqueue_dma source(%dma_start3A_136 : memref<624x128xf32, #tpu.memory_space<vmem_shared>>) target(%dma_start3A_134 : memref<624x128xf32, #tpu.memory_space<hbm>>) target_semaphore(%run_scoped3A : memref<!tpu.dma_semaphore, #tpu.memory_space<semaphore_mem>>)
        %dma_wait3A_137 = arith.constant 0 : i32
        %dma_wait3A_138 = arith.constant 0 : i32
        %dma_wait3A_139 = tpu.memref_slice %arg6[%add3A_58, %dma_wait3A_137, %dma_wait3A_138] : memref<4x10000x128xf32, #tpu.memory_space<hbm>> -> memref<1x10000x128xf32, #tpu.memory_space<hbm>>
        %dma_wait3A_140 = tpu.memref_squeeze %dma_wait3A_139 : memref<1x10000x128xf32, #tpu.memory_space<hbm>> -> memref<10000x128xf32, #tpu.memory_space<hbm>>
        %dma_wait3A_141 = arith.constant 0 : i32
        %dma_wait3A_142 = tpu.memref_slice %dma_wait3A_140[%add3A_128, %dma_wait3A_141] : memref<10000x128xf32, #tpu.memory_space<hbm>> -> memref<624x128xf32, #tpu.memory_space<hbm>>
        %dma_wait3A_143 = arith.constant 0 : i32
        %dma_wait3A_144 = tpu.memref_slice %arg12[%add3A_128, %dma_wait3A_143] : memref<10112x128xf32, #tpu.memory_space<vmem_shared>> -> memref<624x128xf32, #tpu.memory_space<vmem_shared>>
        tpu.wait_dma2 semaphore(%run_scoped3A : memref<!tpu.dma_semaphore, #tpu.memory_space<semaphore_mem>>) src(%dma_wait3A_144 : memref<624x128xf32, #tpu.memory_space<vmem_shared>>) dst(%dma_wait3A_142 : memref<624x128xf32, #tpu.memory_space<hbm>>)
        tpu.yield
      }) : () -> ()
    } else {
    }
    %barrier3A_123 = arith.constant 0 : index
    tpu.barrier barrier_id(%barrier3A_123)
    return
  }
}

#map = affine_map<(d0, d1) -> (0, 0, 0)>
#map1 = affine_map<(d0, d1) -> (0, 0)>
module attributes {stable_mosaic.version = 14 : i64} {
  func.func @agg_kernel(%arg0: i32, %arg1: i32, %arg2: memref<2x10000x128xf32, #tpu.memory_space<hbm>>, %arg3: memref<16x80x128xi32, #tpu.memory_space<hbm>>, %arg4: memref<16x80x128xi32, #tpu.memory_space<hbm>>, %arg5: memref<10112x128xf32, #tpu.memory_space<hbm>>, %arg6: memref<2x10000x128xf32, #tpu.memory_space<hbm>>, %arg7: memref<80x128xi32, #tpu.memory_space<vmem>>, %arg8: memref<128xi32, #tpu.memory_space<vmem>>, %arg9: memref<128xi32, #tpu.memory_space<vmem>>, %arg10: memref<128x128xf32, #tpu.memory_space<vmem>>, %arg11: memref<128x128xf32, #tpu.memory_space<vmem>>, %arg12: memref<10112x128xf32, #tpu.memory_space<vmem_shared>>, %arg13: memref<!tpu.dma_semaphore, #tpu.memory_space<semaphore_mem>>, %arg14: memref<!tpu.dma_semaphore, #tpu.memory_space<semaphore_mem>>, %arg15: memref<!tpu.dma_semaphore, #tpu.memory_space<semaphore_mem>>, %arg16: memref<!tpu.dma_semaphore, #tpu.memory_space<semaphore_mem>>, %arg17: memref<!tpu.dma_semaphore, #tpu.memory_space<semaphore_mem>>, %arg18: memref<!tpu.dma_semaphore, #tpu.memory_space<semaphore_mem>>) attributes {dimension_semantics = [#tpu.dimension_semantics<core_parallel>, #tpu.dimension_semantics<subcore_parallel>], iteration_bounds = array<i64: 2, 16>, scalar_prefetch = 0 : i64, scratch_operands = 12 : i64, tpu.core_type = #tpu.core_type<sc_vector_subcore>, window_params = [{transform_indices = #map}, {transform_indices = #map}, {transform_indices = #map}, {transform_indices = #map1}, {transform_indices = #map}]} {
    "tpu.region"() ({
      %run_scoped3A = tpu.sem_alloc : memref<!tpu.dma_semaphore, #tpu.memory_space<semaphore_mem>>
      %dma_start3A_57 = arith.constant 0 : i32
      %dma_start3A_58 = arith.constant 0 : i32
      %dma_start3A_59 = tpu.memref_slice %arg4[%arg1, %dma_start3A_57, %dma_start3A_58] : memref<16x80x128xi32, #tpu.memory_space<hbm>> -> memref<1x80x128xi32, #tpu.memory_space<hbm>>
      %dma_start3A_60 = tpu.memref_squeeze %dma_start3A_59 : memref<1x80x128xi32, #tpu.memory_space<hbm>> -> memref<80x128xi32, #tpu.memory_space<hbm>>
      %dma_start3A_61 = arith.constant 0 : i32
      %dma_start3A_62 = arith.constant 0 : i32
      %dma_start3A_63 = tpu.memref_slice %arg4[%arg1, %dma_start3A_61, %dma_start3A_62] : memref<16x80x128xi32, #tpu.memory_space<hbm>> -> memref<1x80x128xi32, #tpu.memory_space<hbm>>
      %dma_start3A_64 = tpu.memref_squeeze %dma_start3A_63 : memref<1x80x128xi32, #tpu.memory_space<hbm>> -> memref<80x128xi32, #tpu.memory_space<hbm>>
      tpu.enqueue_dma source(%dma_start3A_64 : memref<80x128xi32, #tpu.memory_space<hbm>>) target(%arg7 : memref<80x128xi32, #tpu.memory_space<vmem>>) target_semaphore(%run_scoped3A : memref<!tpu.dma_semaphore, #tpu.memory_space<semaphore_mem>>)
      %dma_wait3A_65 = arith.constant 0 : i32
      %dma_wait3A_66 = arith.constant 0 : i32
      %dma_wait3A_67 = tpu.memref_slice %arg4[%arg1, %dma_wait3A_65, %dma_wait3A_66] : memref<16x80x128xi32, #tpu.memory_space<hbm>> -> memref<1x80x128xi32, #tpu.memory_space<hbm>>
      %dma_wait3A_68 = tpu.memref_squeeze %dma_wait3A_67 : memref<1x80x128xi32, #tpu.memory_space<hbm>> -> memref<80x128xi32, #tpu.memory_space<hbm>>
      %dma_wait3A_69 = arith.constant 0 : i32
      %dma_wait3A_70 = arith.constant 0 : i32
      %dma_wait3A_71 = tpu.memref_slice %arg4[%arg1, %dma_wait3A_69, %dma_wait3A_70] : memref<16x80x128xi32, #tpu.memory_space<hbm>> -> memref<1x80x128xi32, #tpu.memory_space<hbm>>
      %dma_wait3A_72 = tpu.memref_squeeze %dma_wait3A_71 : memref<1x80x128xi32, #tpu.memory_space<hbm>> -> memref<80x128xi32, #tpu.memory_space<hbm>>
      tpu.wait_dma2 semaphore(%run_scoped3A : memref<!tpu.dma_semaphore, #tpu.memory_space<semaphore_mem>>) src(%dma_wait3A_72 : memref<80x128xi32, #tpu.memory_space<hbm>>) dst(%arg7 : memref<80x128xi32, #tpu.memory_space<vmem>>)
      tpu.yield
    }) : () -> ()
    %add3A = arith.constant 0 : i32
    %add3A_0 = arith.addi %add3A, %arg0 : i32
    %mul3A = arith.constant 632 : i32
    %mul3A_1 = arith.muli %arg1, %mul3A : i32
    %mul3A_2 = arith.constant 632 : i32
    %mul3A_3 = arith.muli %arg1, %mul3A_2 : i32
    "tpu.region"() ({
      %run_scoped3A = tpu.sem_alloc : memref<!tpu.dma_semaphore, #tpu.memory_space<semaphore_mem>>
      %dma_start3A_57 = arith.constant 0 : i32
      %dma_start3A_58 = tpu.memref_slice %arg12[%mul3A_3, %dma_start3A_57] : memref<10112x128xf32, #tpu.memory_space<vmem_shared>> -> memref<632x128xf32, #tpu.memory_space<vmem_shared>>
      %dma_start3A_59 = arith.constant 0 : i32
      %dma_start3A_60 = tpu.memref_slice %arg5[%mul3A_1, %dma_start3A_59] : memref<10112x128xf32, #tpu.memory_space<hbm>> -> memref<632x128xf32, #tpu.memory_space<hbm>>
      tpu.enqueue_dma source(%dma_start3A_60 : memref<632x128xf32, #tpu.memory_space<hbm>>) target(%dma_start3A_58 : memref<632x128xf32, #tpu.memory_space<vmem_shared>>) target_semaphore(%run_scoped3A : memref<!tpu.dma_semaphore, #tpu.memory_space<semaphore_mem>>)
      %dma_wait3A_61 = arith.constant 0 : i32
      %dma_wait3A_62 = tpu.memref_slice %arg12[%mul3A_3, %dma_wait3A_61] : memref<10112x128xf32, #tpu.memory_space<vmem_shared>> -> memref<632x128xf32, #tpu.memory_space<vmem_shared>>
      %dma_wait3A_63 = arith.constant 0 : i32
      %dma_wait3A_64 = tpu.memref_slice %arg5[%mul3A_1, %dma_wait3A_63] : memref<10112x128xf32, #tpu.memory_space<hbm>> -> memref<632x128xf32, #tpu.memory_space<hbm>>
      tpu.wait_dma2 semaphore(%run_scoped3A : memref<!tpu.dma_semaphore, #tpu.memory_space<semaphore_mem>>) src(%dma_wait3A_64 : memref<632x128xf32, #tpu.memory_space<hbm>>) dst(%dma_wait3A_62 : memref<632x128xf32, #tpu.memory_space<vmem_shared>>)
      tpu.yield
    }) : () -> ()
    %dma_start3A = arith.constant 0 : i32
    %dma_start3A_4 = arith.constant 0 : i32
    %dma_start3A_5 = arith.constant 0 : i32
    %dma_start3A_6 = tpu.memref_slice %arg3[%arg1, %dma_start3A_4, %dma_start3A_5] : memref<16x80x128xi32, #tpu.memory_space<hbm>> -> memref<1x80x128xi32, #tpu.memory_space<hbm>>
    %dma_start3A_7 = tpu.memref_squeeze %dma_start3A_6 : memref<1x80x128xi32, #tpu.memory_space<hbm>> -> memref<80x128xi32, #tpu.memory_space<hbm>>
    %dma_start3A_8 = arith.constant 0 : i32
    %dma_start3A_9 = tpu.memref_slice %dma_start3A_7[%dma_start3A, %dma_start3A_8] : memref<80x128xi32, #tpu.memory_space<hbm>> -> memref<1x128xi32, #tpu.memory_space<hbm>>
    %dma_start3A_10 = tpu.memref_squeeze %dma_start3A_9 : memref<1x128xi32, #tpu.memory_space<hbm>> -> memref<128xi32, #tpu.memory_space<hbm>>
    %dma_start3A_11 = arith.constant 0 : i32
    %dma_start3A_12 = arith.constant 0 : i32
    %dma_start3A_13 = tpu.memref_slice %arg3[%arg1, %dma_start3A_11, %dma_start3A_12] : memref<16x80x128xi32, #tpu.memory_space<hbm>> -> memref<1x80x128xi32, #tpu.memory_space<hbm>>
    %dma_start3A_14 = tpu.memref_squeeze %dma_start3A_13 : memref<1x80x128xi32, #tpu.memory_space<hbm>> -> memref<80x128xi32, #tpu.memory_space<hbm>>
    %dma_start3A_15 = arith.constant 0 : i32
    %dma_start3A_16 = tpu.memref_slice %dma_start3A_14[%dma_start3A, %dma_start3A_15] : memref<80x128xi32, #tpu.memory_space<hbm>> -> memref<1x128xi32, #tpu.memory_space<hbm>>
    %dma_start3A_17 = tpu.memref_squeeze %dma_start3A_16 : memref<1x128xi32, #tpu.memory_space<hbm>> -> memref<128xi32, #tpu.memory_space<hbm>>
    tpu.enqueue_dma source(%dma_start3A_17 : memref<128xi32, #tpu.memory_space<hbm>>) target(%arg8 : memref<128xi32, #tpu.memory_space<vmem>>) target_semaphore(%arg13 : memref<!tpu.dma_semaphore, #tpu.memory_space<semaphore_mem>>)
    %dma_start3A_18 = arith.constant 1 : i32
    %dma_start3A_19 = arith.constant 0 : i32
    %dma_start3A_20 = arith.constant 0 : i32
    %dma_start3A_21 = tpu.memref_slice %arg3[%arg1, %dma_start3A_19, %dma_start3A_20] : memref<16x80x128xi32, #tpu.memory_space<hbm>> -> memref<1x80x128xi32, #tpu.memory_space<hbm>>
    %dma_start3A_22 = tpu.memref_squeeze %dma_start3A_21 : memref<1x80x128xi32, #tpu.memory_space<hbm>> -> memref<80x128xi32, #tpu.memory_space<hbm>>
    %dma_start3A_23 = arith.constant 0 : i32
    %dma_start3A_24 = tpu.memref_slice %dma_start3A_22[%dma_start3A_18, %dma_start3A_23] : memref<80x128xi32, #tpu.memory_space<hbm>> -> memref<1x128xi32, #tpu.memory_space<hbm>>
    %dma_start3A_25 = tpu.memref_squeeze %dma_start3A_24 : memref<1x128xi32, #tpu.memory_space<hbm>> -> memref<128xi32, #tpu.memory_space<hbm>>
    %dma_start3A_26 = arith.constant 0 : i32
    %dma_start3A_27 = arith.constant 0 : i32
    %dma_start3A_28 = tpu.memref_slice %arg3[%arg1, %dma_start3A_26, %dma_start3A_27] : memref<16x80x128xi32, #tpu.memory_space<hbm>> -> memref<1x80x128xi32, #tpu.memory_space<hbm>>
    %dma_start3A_29 = tpu.memref_squeeze %dma_start3A_28 : memref<1x80x128xi32, #tpu.memory_space<hbm>> -> memref<80x128xi32, #tpu.memory_space<hbm>>
    %dma_start3A_30 = arith.constant 0 : i32
    %dma_start3A_31 = tpu.memref_slice %dma_start3A_29[%dma_start3A_18, %dma_start3A_30] : memref<80x128xi32, #tpu.memory_space<hbm>> -> memref<1x128xi32, #tpu.memory_space<hbm>>
    %dma_start3A_32 = tpu.memref_squeeze %dma_start3A_31 : memref<1x128xi32, #tpu.memory_space<hbm>> -> memref<128xi32, #tpu.memory_space<hbm>>
    tpu.enqueue_dma source(%dma_start3A_32 : memref<128xi32, #tpu.memory_space<hbm>>) target(%arg9 : memref<128xi32, #tpu.memory_space<vmem>>) target_semaphore(%arg14 : memref<!tpu.dma_semaphore, #tpu.memory_space<semaphore_mem>>)
    %barrier3A = arith.constant 0 : index
    tpu.barrier barrier_id(%barrier3A)
    %scan3A = arith.constant 0 : i32
    %scan3A_33 = arith.constant 0 : i32
    %scan3A_34 = arith.constant 40 : i32
    %scan3A_35 = arith.addi %scan3A_33, %scan3A_34 : i32
    %scan3A_36 = arith.constant 1 : i32
    scf.for %scan3A_57 = %scan3A_33 to %scan3A_35 step %scan3A_36  : i32 {
      %dma_wait3A_58 = arith.constant 0 : i32
      %dma_wait3A_59 = arith.constant 0 : i32
      %dma_wait3A_60 = arith.constant 0 : i32
      %dma_wait3A_61 = tpu.memref_slice %arg3[%arg1, %dma_wait3A_59, %dma_wait3A_60] : memref<16x80x128xi32, #tpu.memory_space<hbm>> -> memref<1x80x128xi32, #tpu.memory_space<hbm>>
      %dma_wait3A_62 = tpu.memref_squeeze %dma_wait3A_61 : memref<1x80x128xi32, #tpu.memory_space<hbm>> -> memref<80x128xi32, #tpu.memory_space<hbm>>
      %dma_wait3A_63 = arith.constant 0 : i32
      %dma_wait3A_64 = tpu.memref_slice %dma_wait3A_62[%dma_wait3A_58, %dma_wait3A_63] : memref<80x128xi32, #tpu.memory_space<hbm>> -> memref<1x128xi32, #tpu.memory_space<hbm>>
      %dma_wait3A_65 = tpu.memref_squeeze %dma_wait3A_64 : memref<1x128xi32, #tpu.memory_space<hbm>> -> memref<128xi32, #tpu.memory_space<hbm>>
      %dma_wait3A_66 = arith.constant 0 : i32
      %dma_wait3A_67 = arith.constant 0 : i32
      %dma_wait3A_68 = tpu.memref_slice %arg3[%arg1, %dma_wait3A_66, %dma_wait3A_67] : memref<16x80x128xi32, #tpu.memory_space<hbm>> -> memref<1x80x128xi32, #tpu.memory_space<hbm>>
      %dma_wait3A_69 = tpu.memref_squeeze %dma_wait3A_68 : memref<1x80x128xi32, #tpu.memory_space<hbm>> -> memref<80x128xi32, #tpu.memory_space<hbm>>
      %dma_wait3A_70 = arith.constant 0 : i32
      %dma_wait3A_71 = tpu.memref_slice %dma_wait3A_69[%dma_wait3A_58, %dma_wait3A_70] : memref<80x128xi32, #tpu.memory_space<hbm>> -> memref<1x128xi32, #tpu.memory_space<hbm>>
      %dma_wait3A_72 = tpu.memref_squeeze %dma_wait3A_71 : memref<1x128xi32, #tpu.memory_space<hbm>> -> memref<128xi32, #tpu.memory_space<hbm>>
      tpu.wait_dma2 semaphore(%arg13 : memref<!tpu.dma_semaphore, #tpu.memory_space<semaphore_mem>>) src(%dma_wait3A_72 : memref<128xi32, #tpu.memory_space<hbm>>) dst(%arg8 : memref<128xi32, #tpu.memory_space<vmem>>)
      %gt3A = arith.constant 0 : i32
      %gt3A_73 = arith.cmpi sgt, %scan3A_57, %gt3A : i32
      %convert_element_type3A_74 = arith.extui %gt3A_73 : i1 to i32
      %cond3A_75 = arith.constant 0 : i32
      %cond3A_76 = arith.cmpi ne, %convert_element_type3A_74, %cond3A_75 : i32
      scf.if %cond3A_76 {
        %dma_wait3A_154 = arith.constant 0 : i32
        %dma_wait3A_155 = arith.constant 0 : i32
        %dma_wait3A_156 = tpu.memref_slice %arg5[%dma_wait3A_154, %dma_wait3A_155] : memref<10112x128xf32, #tpu.memory_space<hbm>> -> memref<128x128xf32, #tpu.memory_space<hbm>>
        %dma_wait3A_157 = arith.constant 0 : i32
        %dma_wait3A_158 = arith.constant 0 : i32
        %dma_wait3A_159 = tpu.memref_slice %arg5[%dma_wait3A_157, %dma_wait3A_158] : memref<10112x128xf32, #tpu.memory_space<hbm>> -> memref<128x128xf32, #tpu.memory_space<hbm>>
        tpu.wait_dma2 semaphore(%arg17 : memref<!tpu.dma_semaphore, #tpu.memory_space<semaphore_mem>>) src(%dma_wait3A_159 : memref<128x128xf32, #tpu.memory_space<hbm>>) dst(%arg10 : memref<128x128xf32, #tpu.memory_space<vmem>>)
      } else {
      }
      %dma_start3A_77 = arith.constant 0 : i32
      %dma_start3A_78 = arith.constant 0 : i32
      %dma_start3A_79 = tpu.memref_slice %arg2[%add3A_0, %dma_start3A_77, %dma_start3A_78] : memref<2x10000x128xf32, #tpu.memory_space<hbm>> -> memref<1x10000x128xf32, #tpu.memory_space<hbm>>
      %dma_start3A_80 = tpu.memref_squeeze %dma_start3A_79 : memref<1x10000x128xf32, #tpu.memory_space<hbm>> -> memref<10000x128xf32, #tpu.memory_space<hbm>>
      %dma_start3A_81 = arith.constant 0 : i32
      %dma_start3A_82 = arith.constant 0 : i32
      %dma_start3A_83 = tpu.memref_slice %dma_start3A_80[%dma_start3A_81, %dma_start3A_82] : memref<10000x128xf32, #tpu.memory_space<hbm>> -> memref<10000x128xf32, #tpu.memory_space<hbm>>
      tpu.enqueue_indirect_dma source(%dma_start3A_83 : memref<10000x128xf32, #tpu.memory_space<hbm>>) target(%arg10 : memref<128x128xf32, #tpu.memory_space<vmem>>) offsets(%arg8 : memref<128xi32, #tpu.memory_space<vmem>>) semaphore(%arg15 : memref<!tpu.dma_semaphore, #tpu.memory_space<semaphore_mem>>)
      %dma_wait3A_84 = arith.constant 0 : i32
      %dma_wait3A_85 = arith.constant 0 : i32
      %dma_wait3A_86 = arith.constant 0 : i32
      %dma_wait3A_87 = tpu.memref_slice %arg3[%arg1, %dma_wait3A_85, %dma_wait3A_86] : memref<16x80x128xi32, #tpu.memory_space<hbm>> -> memref<1x80x128xi32, #tpu.memory_space<hbm>>
      %dma_wait3A_88 = tpu.memref_squeeze %dma_wait3A_87 : memref<1x80x128xi32, #tpu.memory_space<hbm>> -> memref<80x128xi32, #tpu.memory_space<hbm>>
      %dma_wait3A_89 = arith.constant 0 : i32
      %dma_wait3A_90 = tpu.memref_slice %dma_wait3A_88[%dma_wait3A_84, %dma_wait3A_89] : memref<80x128xi32, #tpu.memory_space<hbm>> -> memref<1x128xi32, #tpu.memory_space<hbm>>
      %dma_wait3A_91 = tpu.memref_squeeze %dma_wait3A_90 : memref<1x128xi32, #tpu.memory_space<hbm>> -> memref<128xi32, #tpu.memory_space<hbm>>
      %dma_wait3A_92 = arith.constant 0 : i32
      %dma_wait3A_93 = arith.constant 0 : i32
      %dma_wait3A_94 = tpu.memref_slice %arg3[%arg1, %dma_wait3A_92, %dma_wait3A_93] : memref<16x80x128xi32, #tpu.memory_space<hbm>> -> memref<1x80x128xi32, #tpu.memory_space<hbm>>
      %dma_wait3A_95 = tpu.memref_squeeze %dma_wait3A_94 : memref<1x80x128xi32, #tpu.memory_space<hbm>> -> memref<80x128xi32, #tpu.memory_space<hbm>>
      %dma_wait3A_96 = arith.constant 0 : i32
      %dma_wait3A_97 = tpu.memref_slice %dma_wait3A_95[%dma_wait3A_84, %dma_wait3A_96] : memref<80x128xi32, #tpu.memory_space<hbm>> -> memref<1x128xi32, #tpu.memory_space<hbm>>
      %dma_wait3A_98 = tpu.memref_squeeze %dma_wait3A_97 : memref<1x128xi32, #tpu.memory_space<hbm>> -> memref<128xi32, #tpu.memory_space<hbm>>
      tpu.wait_dma2 semaphore(%arg14 : memref<!tpu.dma_semaphore, #tpu.memory_space<semaphore_mem>>) src(%dma_wait3A_98 : memref<128xi32, #tpu.memory_space<hbm>>) dst(%arg9 : memref<128xi32, #tpu.memory_space<vmem>>)
      %gt3A_99 = arith.constant 0 : i32
      %gt3A_100 = arith.cmpi sgt, %scan3A_57, %gt3A_99 : i32
      %convert_element_type3A_101 = arith.extui %gt3A_100 : i1 to i32
      %cond3A_102 = arith.constant 0 : i32
      %cond3A_103 = arith.cmpi ne, %convert_element_type3A_101, %cond3A_102 : i32
      scf.if %cond3A_103 {
        %dma_wait3A_154 = arith.constant 0 : i32
        %dma_wait3A_155 = arith.constant 0 : i32
        %dma_wait3A_156 = tpu.memref_slice %arg5[%dma_wait3A_154, %dma_wait3A_155] : memref<10112x128xf32, #tpu.memory_space<hbm>> -> memref<128x128xf32, #tpu.memory_space<hbm>>
        %dma_wait3A_157 = arith.constant 0 : i32
        %dma_wait3A_158 = arith.constant 0 : i32
        %dma_wait3A_159 = tpu.memref_slice %arg5[%dma_wait3A_157, %dma_wait3A_158] : memref<10112x128xf32, #tpu.memory_space<hbm>> -> memref<128x128xf32, #tpu.memory_space<hbm>>
        tpu.wait_dma2 semaphore(%arg18 : memref<!tpu.dma_semaphore, #tpu.memory_space<semaphore_mem>>) src(%dma_wait3A_159 : memref<128x128xf32, #tpu.memory_space<hbm>>) dst(%arg11 : memref<128x128xf32, #tpu.memory_space<vmem>>)
      } else {
      }
      %dma_start3A_104 = arith.constant 0 : i32
      %dma_start3A_105 = arith.constant 0 : i32
      %dma_start3A_106 = tpu.memref_slice %arg2[%add3A_0, %dma_start3A_104, %dma_start3A_105] : memref<2x10000x128xf32, #tpu.memory_space<hbm>> -> memref<1x10000x128xf32, #tpu.memory_space<hbm>>
      %dma_start3A_107 = tpu.memref_squeeze %dma_start3A_106 : memref<1x10000x128xf32, #tpu.memory_space<hbm>> -> memref<10000x128xf32, #tpu.memory_space<hbm>>
      %dma_start3A_108 = arith.constant 0 : i32
      %dma_start3A_109 = arith.constant 0 : i32
      %dma_start3A_110 = tpu.memref_slice %dma_start3A_107[%dma_start3A_108, %dma_start3A_109] : memref<10000x128xf32, #tpu.memory_space<hbm>> -> memref<10000x128xf32, #tpu.memory_space<hbm>>
      tpu.enqueue_indirect_dma source(%dma_start3A_110 : memref<10000x128xf32, #tpu.memory_space<hbm>>) target(%arg11 : memref<128x128xf32, #tpu.memory_space<vmem>>) offsets(%arg9 : memref<128xi32, #tpu.memory_space<vmem>>) semaphore(%arg16 : memref<!tpu.dma_semaphore, #tpu.memory_space<semaphore_mem>>)
      %mul3A_111 = arith.constant 2 : i32
      %mul3A_112 = arith.muli %scan3A_57, %mul3A_111 : i32
      %add3A_113 = arith.constant 0 : i32
      %add3A_114 = arith.addi %mul3A_112, %add3A_113 : i32
      %dma_wait3A_115 = arith.constant 0 : i32
      %dma_wait3A_116 = arith.constant 0 : i32
      %dma_wait3A_117 = tpu.memref_slice %arg2[%add3A_0, %dma_wait3A_115, %dma_wait3A_116] : memref<2x10000x128xf32, #tpu.memory_space<hbm>> -> memref<1x10000x128xf32, #tpu.memory_space<hbm>>
      %dma_wait3A_118 = tpu.memref_squeeze %dma_wait3A_117 : memref<1x10000x128xf32, #tpu.memory_space<hbm>> -> memref<10000x128xf32, #tpu.memory_space<hbm>>
      %dma_wait3A_119 = arith.constant 0 : i32
      %dma_wait3A_120 = arith.constant 0 : i32
      %dma_wait3A_121 = tpu.memref_slice %dma_wait3A_118[%dma_wait3A_119, %dma_wait3A_120] : memref<10000x128xf32, #tpu.memory_space<hbm>> -> memref<10000x128xf32, #tpu.memory_space<hbm>>
      tpu.wait_indirect_dma semaphore(%arg15 : memref<!tpu.dma_semaphore, #tpu.memory_space<semaphore_mem>>) src(%dma_wait3A_121 : memref<10000x128xf32, #tpu.memory_space<hbm>>) dst(%arg10 : memref<128x128xf32, #tpu.memory_space<vmem>>)
      %lt3A = arith.constant 39 : i32
      %lt3A_122 = arith.cmpi slt, %scan3A_57, %lt3A : i32
      %convert_element_type3A_123 = arith.extui %lt3A_122 : i1 to i32
      %cond3A_124 = arith.constant 0 : i32
      %cond3A_125 = arith.cmpi ne, %convert_element_type3A_123, %cond3A_124 : i32
      scf.if %cond3A_125 {
        %add3A_154 = arith.constant 2 : i32
        %add3A_155 = arith.addi %add3A_114, %add3A_154 : i32
        %dma_start3A_156 = arith.constant 0 : i32
        %dma_start3A_157 = arith.constant 0 : i32
        %dma_start3A_158 = tpu.memref_slice %arg3[%arg1, %dma_start3A_156, %dma_start3A_157] : memref<16x80x128xi32, #tpu.memory_space<hbm>> -> memref<1x80x128xi32, #tpu.memory_space<hbm>>
        %dma_start3A_159 = tpu.memref_squeeze %dma_start3A_158 : memref<1x80x128xi32, #tpu.memory_space<hbm>> -> memref<80x128xi32, #tpu.memory_space<hbm>>
        %dma_start3A_160 = arith.constant 0 : i32
        %dma_start3A_161 = tpu.memref_slice %dma_start3A_159[%add3A_155, %dma_start3A_160] : memref<80x128xi32, #tpu.memory_space<hbm>> -> memref<1x128xi32, #tpu.memory_space<hbm>>
        %dma_start3A_162 = tpu.memref_squeeze %dma_start3A_161 : memref<1x128xi32, #tpu.memory_space<hbm>> -> memref<128xi32, #tpu.memory_space<hbm>>
        %dma_start3A_163 = arith.constant 0 : i32
        %dma_start3A_164 = arith.constant 0 : i32
        %dma_start3A_165 = tpu.memref_slice %arg3[%arg1, %dma_start3A_163, %dma_start3A_164] : memref<16x80x128xi32, #tpu.memory_space<hbm>> -> memref<1x80x128xi32, #tpu.memory_space<hbm>>
        %dma_start3A_166 = tpu.memref_squeeze %dma_start3A_165 : memref<1x80x128xi32, #tpu.memory_space<hbm>> -> memref<80x128xi32, #tpu.memory_space<hbm>>
        %dma_start3A_167 = arith.constant 0 : i32
        %dma_start3A_168 = tpu.memref_slice %dma_start3A_166[%add3A_155, %dma_start3A_167] : memref<80x128xi32, #tpu.memory_space<hbm>> -> memref<1x128xi32, #tpu.memory_space<hbm>>
        %dma_start3A_169 = tpu.memref_squeeze %dma_start3A_168 : memref<1x128xi32, #tpu.memory_space<hbm>> -> memref<128xi32, #tpu.memory_space<hbm>>
        tpu.enqueue_dma source(%dma_start3A_169 : memref<128xi32, #tpu.memory_space<hbm>>) target(%arg8 : memref<128xi32, #tpu.memory_space<vmem>>) target_semaphore(%arg13 : memref<!tpu.dma_semaphore, #tpu.memory_space<semaphore_mem>>)
      } else {
      }
      %dma_start3A_126 = arith.constant 0 : i32
      %dma_start3A_127 = tpu.memref_slice %arg7[%add3A_114, %dma_start3A_126] : memref<80x128xi32, #tpu.memory_space<vmem>> -> memref<1x128xi32, #tpu.memory_space<vmem>>
      %dma_start3A_128 = tpu.memref_squeeze %dma_start3A_127 : memref<1x128xi32, #tpu.memory_space<vmem>> -> memref<128xi32, #tpu.memory_space<vmem>>
      %dma_start3A_129 = arith.constant 0 : i32
      %dma_start3A_130 = arith.constant 0 : i32
      %dma_start3A_131 = tpu.memref_slice %arg12[%dma_start3A_129, %dma_start3A_130] : memref<10112x128xf32, #tpu.memory_space<vmem_shared>> -> memref<10112x128xf32, #tpu.memory_space<vmem_shared>>
      tpu.enqueue_indirect_dma source(%arg10 : memref<128x128xf32, #tpu.memory_space<vmem>>) target(%dma_start3A_131 : memref<10112x128xf32, #tpu.memory_space<vmem_shared>>) offsets(%dma_start3A_128 : memref<128xi32, #tpu.memory_space<vmem>>) semaphore(%arg17 : memref<!tpu.dma_semaphore, #tpu.memory_space<semaphore_mem>>) {add = true}
      %mul3A_132 = arith.constant 2 : i32
      %mul3A_133 = arith.muli %scan3A_57, %mul3A_132 : i32
      %add3A_134 = arith.constant 1 : i32
      %add3A_135 = arith.addi %mul3A_133, %add3A_134 : i32
      %dma_wait3A_136 = arith.constant 0 : i32
      %dma_wait3A_137 = arith.constant 0 : i32
      %dma_wait3A_138 = tpu.memref_slice %arg2[%add3A_0, %dma_wait3A_136, %dma_wait3A_137] : memref<2x10000x128xf32, #tpu.memory_space<hbm>> -> memref<1x10000x128xf32, #tpu.memory_space<hbm>>
      %dma_wait3A_139 = tpu.memref_squeeze %dma_wait3A_138 : memref<1x10000x128xf32, #tpu.memory_space<hbm>> -> memref<10000x128xf32, #tpu.memory_space<hbm>>
      %dma_wait3A_140 = arith.constant 0 : i32
      %dma_wait3A_141 = arith.constant 0 : i32
      %dma_wait3A_142 = tpu.memref_slice %dma_wait3A_139[%dma_wait3A_140, %dma_wait3A_141] : memref<10000x128xf32, #tpu.memory_space<hbm>> -> memref<10000x128xf32, #tpu.memory_space<hbm>>
      tpu.wait_indirect_dma semaphore(%arg16 : memref<!tpu.dma_semaphore, #tpu.memory_space<semaphore_mem>>) src(%dma_wait3A_142 : memref<10000x128xf32, #tpu.memory_space<hbm>>) dst(%arg11 : memref<128x128xf32, #tpu.memory_space<vmem>>)
      %lt3A_143 = arith.constant 39 : i32
      %lt3A_144 = arith.cmpi slt, %scan3A_57, %lt3A_143 : i32
      %convert_element_type3A_145 = arith.extui %lt3A_144 : i1 to i32
      %cond3A_146 = arith.constant 0 : i32
      %cond3A_147 = arith.cmpi ne, %convert_element_type3A_145, %cond3A_146 : i32
      scf.if %cond3A_147 {
        %add3A_154 = arith.constant 2 : i32
        %add3A_155 = arith.addi %add3A_135, %add3A_154 : i32
        %dma_start3A_156 = arith.constant 0 : i32
        %dma_start3A_157 = arith.constant 0 : i32
        %dma_start3A_158 = tpu.memref_slice %arg3[%arg1, %dma_start3A_156, %dma_start3A_157] : memref<16x80x128xi32, #tpu.memory_space<hbm>> -> memref<1x80x128xi32, #tpu.memory_space<hbm>>
        %dma_start3A_159 = tpu.memref_squeeze %dma_start3A_158 : memref<1x80x128xi32, #tpu.memory_space<hbm>> -> memref<80x128xi32, #tpu.memory_space<hbm>>
        %dma_start3A_160 = arith.constant 0 : i32
        %dma_start3A_161 = tpu.memref_slice %dma_start3A_159[%add3A_155, %dma_start3A_160] : memref<80x128xi32, #tpu.memory_space<hbm>> -> memref<1x128xi32, #tpu.memory_space<hbm>>
        %dma_start3A_162 = tpu.memref_squeeze %dma_start3A_161 : memref<1x128xi32, #tpu.memory_space<hbm>> -> memref<128xi32, #tpu.memory_space<hbm>>
        %dma_start3A_163 = arith.constant 0 : i32
        %dma_start3A_164 = arith.constant 0 : i32
        %dma_start3A_165 = tpu.memref_slice %arg3[%arg1, %dma_start3A_163, %dma_start3A_164] : memref<16x80x128xi32, #tpu.memory_space<hbm>> -> memref<1x80x128xi32, #tpu.memory_space<hbm>>
        %dma_start3A_166 = tpu.memref_squeeze %dma_start3A_165 : memref<1x80x128xi32, #tpu.memory_space<hbm>> -> memref<80x128xi32, #tpu.memory_space<hbm>>
        %dma_start3A_167 = arith.constant 0 : i32
        %dma_start3A_168 = tpu.memref_slice %dma_start3A_166[%add3A_155, %dma_start3A_167] : memref<80x128xi32, #tpu.memory_space<hbm>> -> memref<1x128xi32, #tpu.memory_space<hbm>>
        %dma_start3A_169 = tpu.memref_squeeze %dma_start3A_168 : memref<1x128xi32, #tpu.memory_space<hbm>> -> memref<128xi32, #tpu.memory_space<hbm>>
        tpu.enqueue_dma source(%dma_start3A_169 : memref<128xi32, #tpu.memory_space<hbm>>) target(%arg9 : memref<128xi32, #tpu.memory_space<vmem>>) target_semaphore(%arg14 : memref<!tpu.dma_semaphore, #tpu.memory_space<semaphore_mem>>)
      } else {
      }
      %dma_start3A_148 = arith.constant 0 : i32
      %dma_start3A_149 = tpu.memref_slice %arg7[%add3A_135, %dma_start3A_148] : memref<80x128xi32, #tpu.memory_space<vmem>> -> memref<1x128xi32, #tpu.memory_space<vmem>>
      %dma_start3A_150 = tpu.memref_squeeze %dma_start3A_149 : memref<1x128xi32, #tpu.memory_space<vmem>> -> memref<128xi32, #tpu.memory_space<vmem>>
      %dma_start3A_151 = arith.constant 0 : i32
      %dma_start3A_152 = arith.constant 0 : i32
      %dma_start3A_153 = tpu.memref_slice %arg12[%dma_start3A_151, %dma_start3A_152] : memref<10112x128xf32, #tpu.memory_space<vmem_shared>> -> memref<10112x128xf32, #tpu.memory_space<vmem_shared>>
      tpu.enqueue_indirect_dma source(%arg11 : memref<128x128xf32, #tpu.memory_space<vmem>>) target(%dma_start3A_153 : memref<10112x128xf32, #tpu.memory_space<vmem_shared>>) offsets(%dma_start3A_150 : memref<128xi32, #tpu.memory_space<vmem>>) semaphore(%arg18 : memref<!tpu.dma_semaphore, #tpu.memory_space<semaphore_mem>>) {add = true}
    }
    %scan3A_37 = arith.constant 40 : i32
    %dma_wait3A = arith.constant 0 : i32
    %dma_wait3A_38 = arith.constant 0 : i32
    %dma_wait3A_39 = tpu.memref_slice %arg5[%dma_wait3A, %dma_wait3A_38] : memref<10112x128xf32, #tpu.memory_space<hbm>> -> memref<128x128xf32, #tpu.memory_space<hbm>>
    %dma_wait3A_40 = arith.constant 0 : i32
    %dma_wait3A_41 = arith.constant 0 : i32
    %dma_wait3A_42 = tpu.memref_slice %arg5[%dma_wait3A_40, %dma_wait3A_41] : memref<10112x128xf32, #tpu.memory_space<hbm>> -> memref<128x128xf32, #tpu.memory_space<hbm>>
    tpu.wait_dma2 semaphore(%arg17 : memref<!tpu.dma_semaphore, #tpu.memory_space<semaphore_mem>>) src(%dma_wait3A_42 : memref<128x128xf32, #tpu.memory_space<hbm>>) dst(%arg10 : memref<128x128xf32, #tpu.memory_space<vmem>>)
    %dma_wait3A_43 = arith.constant 0 : i32
    %dma_wait3A_44 = arith.constant 0 : i32
    %dma_wait3A_45 = tpu.memref_slice %arg5[%dma_wait3A_43, %dma_wait3A_44] : memref<10112x128xf32, #tpu.memory_space<hbm>> -> memref<128x128xf32, #tpu.memory_space<hbm>>
    %dma_wait3A_46 = arith.constant 0 : i32
    %dma_wait3A_47 = arith.constant 0 : i32
    %dma_wait3A_48 = tpu.memref_slice %arg5[%dma_wait3A_46, %dma_wait3A_47] : memref<10112x128xf32, #tpu.memory_space<hbm>> -> memref<128x128xf32, #tpu.memory_space<hbm>>
    tpu.wait_dma2 semaphore(%arg18 : memref<!tpu.dma_semaphore, #tpu.memory_space<semaphore_mem>>) src(%dma_wait3A_48 : memref<128x128xf32, #tpu.memory_space<hbm>>) dst(%arg11 : memref<128x128xf32, #tpu.memory_space<vmem>>)
    %barrier3A_49 = arith.constant 0 : index
    tpu.barrier barrier_id(%barrier3A_49)
    %eq3A = arith.constant 0 : i32
    %eq3A_50 = arith.cmpi eq, %arg1, %eq3A : i32
    %convert_element_type3A = arith.extui %eq3A_50 : i1 to i32
    %cond3A = arith.constant 0 : i32
    %cond3A_51 = arith.cmpi ne, %convert_element_type3A, %cond3A : i32
    scf.if %cond3A_51 {
      "tpu.region"() ({
        %run_scoped3A = tpu.sem_alloc : memref<!tpu.dma_semaphore, #tpu.memory_space<semaphore_mem>>
        %dma_start3A_57 = arith.constant 0 : i32
        %dma_start3A_58 = arith.constant 0 : i32
        %dma_start3A_59 = tpu.memref_slice %arg6[%add3A_0, %dma_start3A_57, %dma_start3A_58] : memref<2x10000x128xf32, #tpu.memory_space<hbm>> -> memref<1x10000x128xf32, #tpu.memory_space<hbm>>
        %dma_start3A_60 = tpu.memref_squeeze %dma_start3A_59 : memref<1x10000x128xf32, #tpu.memory_space<hbm>> -> memref<10000x128xf32, #tpu.memory_space<hbm>>
        %dma_start3A_61 = arith.constant 0 : i32
        %dma_start3A_62 = arith.constant 0 : i32
        %dma_start3A_63 = tpu.memref_slice %dma_start3A_60[%dma_start3A_61, %dma_start3A_62] : memref<10000x128xf32, #tpu.memory_space<hbm>> -> memref<640x128xf32, #tpu.memory_space<hbm>>
        %dma_start3A_64 = arith.constant 0 : i32
        %dma_start3A_65 = arith.constant 0 : i32
        %dma_start3A_66 = tpu.memref_slice %arg12[%dma_start3A_64, %dma_start3A_65] : memref<10112x128xf32, #tpu.memory_space<vmem_shared>> -> memref<640x128xf32, #tpu.memory_space<vmem_shared>>
        tpu.enqueue_dma source(%dma_start3A_66 : memref<640x128xf32, #tpu.memory_space<vmem_shared>>) target(%dma_start3A_63 : memref<640x128xf32, #tpu.memory_space<hbm>>) target_semaphore(%run_scoped3A : memref<!tpu.dma_semaphore, #tpu.memory_space<semaphore_mem>>)
        %dma_wait3A_67 = arith.constant 0 : i32
        %dma_wait3A_68 = arith.constant 0 : i32
        %dma_wait3A_69 = tpu.memref_slice %arg6[%add3A_0, %dma_wait3A_67, %dma_wait3A_68] : memref<2x10000x128xf32, #tpu.memory_space<hbm>> -> memref<1x10000x128xf32, #tpu.memory_space<hbm>>
        %dma_wait3A_70 = tpu.memref_squeeze %dma_wait3A_69 : memref<1x10000x128xf32, #tpu.memory_space<hbm>> -> memref<10000x128xf32, #tpu.memory_space<hbm>>
        %dma_wait3A_71 = arith.constant 0 : i32
        %dma_wait3A_72 = arith.constant 0 : i32
        %dma_wait3A_73 = tpu.memref_slice %dma_wait3A_70[%dma_wait3A_71, %dma_wait3A_72] : memref<10000x128xf32, #tpu.memory_space<hbm>> -> memref<640x128xf32, #tpu.memory_space<hbm>>
        %dma_wait3A_74 = arith.constant 0 : i32
        %dma_wait3A_75 = arith.constant 0 : i32
        %dma_wait3A_76 = tpu.memref_slice %arg12[%dma_wait3A_74, %dma_wait3A_75] : memref<10112x128xf32, #tpu.memory_space<vmem_shared>> -> memref<640x128xf32, #tpu.memory_space<vmem_shared>>
        tpu.wait_dma2 semaphore(%run_scoped3A : memref<!tpu.dma_semaphore, #tpu.memory_space<semaphore_mem>>) src(%dma_wait3A_76 : memref<640x128xf32, #tpu.memory_space<vmem_shared>>) dst(%dma_wait3A_73 : memref<640x128xf32, #tpu.memory_space<hbm>>)
        tpu.yield
      }) : () -> ()
    } else {
    }
    %ne3A = arith.constant 0 : i32
    %ne3A_52 = arith.cmpi ne, %arg1, %ne3A : i32
    %convert_element_type3A_53 = arith.extui %ne3A_52 : i1 to i32
    %cond3A_54 = arith.constant 0 : i32
    %cond3A_55 = arith.cmpi ne, %convert_element_type3A_53, %cond3A_54 : i32
    scf.if %cond3A_55 {
      %sub3A = arith.constant 1 : i32
      %sub3A_57 = arith.subi %arg1, %sub3A : i32
      %mul3A_58 = arith.constant 624 : i32
      %mul3A_59 = arith.muli %sub3A_57, %mul3A_58 : i32
      %add3A_60 = arith.constant 640 : i32
      %add3A_61 = arith.addi %add3A_60, %mul3A_59 : i32
      "tpu.region"() ({
        %run_scoped3A = tpu.sem_alloc : memref<!tpu.dma_semaphore, #tpu.memory_space<semaphore_mem>>
        %dma_start3A_62 = arith.constant 0 : i32
        %dma_start3A_63 = arith.constant 0 : i32
        %dma_start3A_64 = tpu.memref_slice %arg6[%add3A_0, %dma_start3A_62, %dma_start3A_63] : memref<2x10000x128xf32, #tpu.memory_space<hbm>> -> memref<1x10000x128xf32, #tpu.memory_space<hbm>>
        %dma_start3A_65 = tpu.memref_squeeze %dma_start3A_64 : memref<1x10000x128xf32, #tpu.memory_space<hbm>> -> memref<10000x128xf32, #tpu.memory_space<hbm>>
        %dma_start3A_66 = arith.constant 0 : i32
        %dma_start3A_67 = tpu.memref_slice %dma_start3A_65[%add3A_61, %dma_start3A_66] : memref<10000x128xf32, #tpu.memory_space<hbm>> -> memref<624x128xf32, #tpu.memory_space<hbm>>
        %dma_start3A_68 = arith.constant 0 : i32
        %dma_start3A_69 = tpu.memref_slice %arg12[%add3A_61, %dma_start3A_68] : memref<10112x128xf32, #tpu.memory_space<vmem_shared>> -> memref<624x128xf32, #tpu.memory_space<vmem_shared>>
        tpu.enqueue_dma source(%dma_start3A_69 : memref<624x128xf32, #tpu.memory_space<vmem_shared>>) target(%dma_start3A_67 : memref<624x128xf32, #tpu.memory_space<hbm>>) target_semaphore(%run_scoped3A : memref<!tpu.dma_semaphore, #tpu.memory_space<semaphore_mem>>)
        %dma_wait3A_70 = arith.constant 0 : i32
        %dma_wait3A_71 = arith.constant 0 : i32
        %dma_wait3A_72 = tpu.memref_slice %arg6[%add3A_0, %dma_wait3A_70, %dma_wait3A_71] : memref<2x10000x128xf32, #tpu.memory_space<hbm>> -> memref<1x10000x128xf32, #tpu.memory_space<hbm>>
        %dma_wait3A_73 = tpu.memref_squeeze %dma_wait3A_72 : memref<1x10000x128xf32, #tpu.memory_space<hbm>> -> memref<10000x128xf32, #tpu.memory_space<hbm>>
        %dma_wait3A_74 = arith.constant 0 : i32
        %dma_wait3A_75 = tpu.memref_slice %dma_wait3A_73[%add3A_61, %dma_wait3A_74] : memref<10000x128xf32, #tpu.memory_space<hbm>> -> memref<624x128xf32, #tpu.memory_space<hbm>>
        %dma_wait3A_76 = arith.constant 0 : i32
        %dma_wait3A_77 = tpu.memref_slice %arg12[%add3A_61, %dma_wait3A_76] : memref<10112x128xf32, #tpu.memory_space<vmem_shared>> -> memref<624x128xf32, #tpu.memory_space<vmem_shared>>
        tpu.wait_dma2 semaphore(%run_scoped3A : memref<!tpu.dma_semaphore, #tpu.memory_space<semaphore_mem>>) src(%dma_wait3A_77 : memref<624x128xf32, #tpu.memory_space<vmem_shared>>) dst(%dma_wait3A_75 : memref<624x128xf32, #tpu.memory_space<hbm>>)
        tpu.yield
      }) : () -> ()
    } else {
    }
    %barrier3A_56 = arith.constant 0 : index
    tpu.barrier barrier_id(%barrier3A_56)
    return
  }
}

module attributes {stable_mosaic.version = 14 : i64} {
  func.func @_mm1_body(%arg0: i32, %arg1: i32, %arg2: memref<1000x256xf32, #tpu.memory_space<vmem>>, %arg3: memref<2x1000x128xf32, #tpu.memory_space<vmem>>, %arg4: memref<256x128xf32, #tpu.memory_space<vmem>>, %arg5: memref<1x1x128xf32, #tpu.memory_space<vmem>>, %arg6: memref<1x1000x128xf32, #tpu.memory_space<vmem>>) attributes {dimension_semantics = [#tpu.dimension_semantics<arbitrary>, #tpu.dimension_semantics<arbitrary>], iteration_bounds = array<i64: 10, 4>, scalar_prefetch = 0 : i64, scratch_operands = 0 : i64, tpu.core_type = #tpu.core_type<tc>, window_params = [{transform_indices = @transform_0, window_bounds = array<i64: 1000, 256>}, {transform_indices = @transform_1, window_bounds = array<i64: 2, 1000, 128>}, {transform_indices = @transform_2, window_bounds = array<i64: 256, 128>}, {transform_indices = @transform_3, window_bounds = array<i64: 1, 1, 128>}, {transform_indices = @transform_4, window_bounds = array<i64: 1, 1000, 128>}]} {
    %get3A = arith.constant 0 : index
    %get3A_0 = arith.constant 0 : index
    %get3A_1 = vector.load %arg2[%get3A, %get3A_0] : memref<1000x256xf32, #tpu.memory_space<vmem>>, vector<1000x256xf32>
    %get3A_2 = arith.constant 0 : index
    %get3A_3 = arith.constant 0 : index
    %get3A_4 = arith.constant 0 : index
    %get3A_5 = vector.load %arg3[%get3A_2, %get3A_3, %get3A_4] : memref<2x1000x128xf32, #tpu.memory_space<vmem>>, vector<1x1000x128xf32>
    %get3A_6 = vector.shape_cast %get3A_5 : vector<1x1000x128xf32> to vector<1000x128xf32>
    %get3A_7 = arith.constant 1 : index
    %get3A_8 = arith.constant 0 : index
    %get3A_9 = arith.constant 0 : index
    %get3A_10 = vector.load %arg3[%get3A_7, %get3A_8, %get3A_9] : memref<2x1000x128xf32, #tpu.memory_space<vmem>>, vector<1x1000x128xf32>
    %get3A_11 = vector.shape_cast %get3A_10 : vector<1x1000x128xf32> to vector<1000x128xf32>
    %concatenate3A = tpu.concatenate %get3A_6, %get3A_11 in 1 : vector<1000x128xf32>, vector<1000x128xf32> -> vector<1000x256xf32>
    %add3A = arith.addf %get3A_1, %concatenate3A : vector<1000x256xf32>
    %get3A_12 = arith.constant 0 : index
    %get3A_13 = arith.constant 0 : index
    %get3A_14 = vector.load %arg4[%get3A_12, %get3A_13] : memref<256x128xf32, #tpu.memory_space<vmem>>, vector<256x128xf32>
    %dot_general3A = arith.constant dense<0.000000e+00> : vector<1000x128xf32>
    %dot_general3A_15 = tpu.matmul %add3A, %get3A_14, %dot_general3A {dimension_numbers = #tpu.dot_dimension_numbers<[1], [0], [0], [1], [0, 0, 1, 1], [], []>, transpose_lhs_hint = false} : vector<1000x256xf32>, vector<256x128xf32>, vector<1000x128xf32> -> vector<1000x128xf32>
    %get3A_16 = arith.constant 0 : index
    %get3A_17 = arith.constant 0 : index
    %get3A_18 = arith.constant 0 : index
    %get3A_19 = vector.load %arg5[%get3A_16, %get3A_17, %get3A_18] : memref<1x1x128xf32, #tpu.memory_space<vmem>>, vector<1x1x128xf32>
    %get3A_20 = vector.shape_cast %get3A_19 : vector<1x1x128xf32> to vector<1x128xf32>
    %add3A_21 = vector.broadcast %get3A_20 : vector<1x128xf32> to vector<1000x128xf32>
    %add3A_22 = arith.addf %dot_general3A_15, %add3A_21 : vector<1000x128xf32>
    %max3A = arith.constant 0.000000e+00 : f32
    %max3A_23 = vector.broadcast %max3A : f32 to vector<1000x128xf32>
    %max3A_24 = arith.maximumf %add3A_22, %max3A_23 : vector<1000x128xf32>
    %broadcast_in_dim3A = vector.shape_cast %max3A_24 : vector<1000x128xf32> to vector<1x1000x128xf32>
    %swap3A = arith.constant 0 : index
    %swap3A_25 = arith.constant 0 : index
    %swap3A_26 = arith.constant 0 : index
    %swap3A_27 = vector.load %arg6[%swap3A, %swap3A_25, %swap3A_26] : memref<1x1000x128xf32, #tpu.memory_space<vmem>>, vector<1x1000x128xf32>
    tpu.vector_store %arg6[%swap3A, %swap3A_25, %swap3A_26], %broadcast_in_dim3A {strides = array<i32>} : memref<1x1000x128xf32, #tpu.memory_space<vmem>>, vector<1x1000x128xf32>,
    return
  }
  func.func @transform_0(%arg0: i32, %arg1: i32) -> (i32, i32) {
    %c0_i32 = arith.constant 0 : i32
    %c0_i32_0 = arith.constant 0 : i32
    return %arg0, %c0_i32 : i32, i32
  }
  func.func @transform_1(%arg0: i32, %arg1: i32) -> (i32, i32, i32) {
    %c0_i32 = arith.constant 0 : i32
    %c0_i32_0 = arith.constant 0 : i32
    %c0_i32_1 = arith.constant 0 : i32
    return %c0_i32, %arg0, %c0_i32_0 : i32, i32, i32
  }
  func.func @transform_2(%arg0: i32, %arg1: i32) -> (i32, i32) {
    %c0_i32 = arith.constant 0 : i32
    %c0_i32_0 = arith.constant 0 : i32
    return %c0_i32, %arg1 : i32, i32
  }
  func.func @transform_3(%arg0: i32, %arg1: i32) -> (i32, i32, i32) {
    %c0_i32 = arith.constant 0 : i32
    %c0_i32_0 = arith.constant 0 : i32
    %c0_i32_1 = arith.constant 0 : i32
    return %arg1, %c0_i32, %c0_i32_0 : i32, i32, i32
  }
  func.func @transform_4(%arg0: i32, %arg1: i32) -> (i32, i32, i32) {
    %c0_i32 = arith.constant 0 : i32
    %c0_i32_0 = arith.constant 0 : i32
    return %arg1, %arg0, %c0_i32 : i32, i32, i32
  }
}

module attributes {stable_mosaic.version = 14 : i64} {
  func.func @_mm2_body(%arg0: i32, %arg1: memref<4x1000x128xf32, #tpu.memory_space<vmem>>, %arg2: memref<4x1000x128xf32, #tpu.memory_space<vmem>>, %arg3: memref<512x512xf32, #tpu.memory_space<vmem>>, %arg4: memref<1x512xf32, #tpu.memory_space<vmem>>, %arg5: memref<1x1x1000xi32, #tpu.memory_space<vmem>>, %arg6: memref<512x64xf32, #tpu.memory_space<vmem>>, %arg7: memref<1x64xf32, #tpu.memory_space<vmem>>, %arg8: memref<64x64xf32, #tpu.memory_space<vmem>>, %arg9: memref<64x512xf32, #tpu.memory_space<vmem>>, %arg10: memref<64x128xf32, #tpu.memory_space<vmem>>) attributes {dimension_semantics = [#tpu.dimension_semantics<arbitrary>], iteration_bounds = array<i64: 10>, scalar_prefetch = 0 : i64, scratch_operands = 2 : i64, tpu.core_type = #tpu.core_type<tc>, window_params = [{transform_indices = @transform_0, window_bounds = array<i64: 4, 1000, 128>}, {transform_indices = @transform_1, window_bounds = array<i64: 4, 1000, 128>}, {pipeline_mode = #tpu.pipeline_mode<synchronous>, transform_indices = @transform_2, window_bounds = array<i64: 512, 512>}, {pipeline_mode = #tpu.pipeline_mode<synchronous>, transform_indices = @transform_3, window_bounds = array<i64: 1, 512>}, {transform_indices = @transform_4, window_bounds = array<i64: 1, 1, 1000>}, {pipeline_mode = #tpu.pipeline_mode<synchronous>, transform_indices = @transform_5, window_bounds = array<i64: 512, 64>}, {pipeline_mode = #tpu.pipeline_mode<synchronous>, transform_indices = @transform_6, window_bounds = array<i64: 1, 64>}, {pipeline_mode = #tpu.pipeline_mode<synchronous>, transform_indices = @transform_7, window_bounds = array<i64: 64, 64>}]} {
    %eq3A = arith.constant 0 : i32
    %eq3A_0 = arith.cmpi eq, %arg0, %eq3A : i32
    %convert_element_type3A = arith.extui %eq3A_0 : i1 to i32
    %cond3A = arith.constant 0 : i32
    %cond3A_1 = arith.cmpi ne, %convert_element_type3A, %cond3A : i32
    scf.if %cond3A_1 {
      %broadcast_in_dim3A_87 = arith.constant 0.000000e+00 : f32
      %broadcast_in_dim3A_88 = vector.broadcast %broadcast_in_dim3A_87 : f32 to vector<64x512xf32>
      %swap3A_89 = arith.constant 0 : index
      %swap3A_90 = arith.constant 0 : index
      %swap3A_91 = vector.load %arg9[%swap3A_89, %swap3A_90] : memref<64x512xf32, #tpu.memory_space<vmem>>, vector<64x512xf32>
      tpu.vector_store %arg9[%swap3A_89, %swap3A_90], %broadcast_in_dim3A_88 {strides = array<i32>} : memref<64x512xf32, #tpu.memory_space<vmem>>, vector<64x512xf32>,
      %broadcast_in_dim3A_92 = arith.constant 0.000000e+00 : f32
      %broadcast_in_dim3A_93 = vector.broadcast %broadcast_in_dim3A_92 : f32 to vector<64x128xf32>
      %swap3A_94 = arith.constant 0 : index
      %swap3A_95 = arith.constant 0 : index
      %swap3A_96 = vector.load %arg10[%swap3A_94, %swap3A_95] : memref<64x128xf32, #tpu.memory_space<vmem>>, vector<64x128xf32>
      tpu.vector_store %arg10[%swap3A_94, %swap3A_95], %broadcast_in_dim3A_93 {strides = array<i32>} : memref<64x128xf32, #tpu.memory_space<vmem>>, vector<64x128xf32>,
    } else {
    }
    %get3A = arith.constant 0 : index
    %get3A_2 = arith.constant 0 : index
    %get3A_3 = arith.constant 0 : index
    %get3A_4 = vector.load %arg1[%get3A, %get3A_2, %get3A_3] : memref<4x1000x128xf32, #tpu.memory_space<vmem>>, vector<1x1000x128xf32>
    %get3A_5 = vector.shape_cast %get3A_4 : vector<1x1000x128xf32> to vector<1000x128xf32>
    %get3A_6 = arith.constant 1 : index
    %get3A_7 = arith.constant 0 : index
    %get3A_8 = arith.constant 0 : index
    %get3A_9 = vector.load %arg1[%get3A_6, %get3A_7, %get3A_8] : memref<4x1000x128xf32, #tpu.memory_space<vmem>>, vector<1x1000x128xf32>
    %get3A_10 = vector.shape_cast %get3A_9 : vector<1x1000x128xf32> to vector<1000x128xf32>
    %get3A_11 = arith.constant 2 : index
    %get3A_12 = arith.constant 0 : index
    %get3A_13 = arith.constant 0 : index
    %get3A_14 = vector.load %arg1[%get3A_11, %get3A_12, %get3A_13] : memref<4x1000x128xf32, #tpu.memory_space<vmem>>, vector<1x1000x128xf32>
    %get3A_15 = vector.shape_cast %get3A_14 : vector<1x1000x128xf32> to vector<1000x128xf32>
    %get3A_16 = arith.constant 3 : index
    %get3A_17 = arith.constant 0 : index
    %get3A_18 = arith.constant 0 : index
    %get3A_19 = vector.load %arg1[%get3A_16, %get3A_17, %get3A_18] : memref<4x1000x128xf32, #tpu.memory_space<vmem>>, vector<1x1000x128xf32>
    %get3A_20 = vector.shape_cast %get3A_19 : vector<1x1000x128xf32> to vector<1000x128xf32>
    %concatenate3A = tpu.concatenate %get3A_5, %get3A_10, %get3A_15, %get3A_20 in 1 : vector<1000x128xf32>, vector<1000x128xf32>, vector<1000x128xf32>, vector<1000x128xf32> -> vector<1000x512xf32>
    %get3A_21 = arith.constant 0 : index
    %get3A_22 = arith.constant 0 : index
    %get3A_23 = arith.constant 0 : index
    %get3A_24 = vector.load %arg2[%get3A_21, %get3A_22, %get3A_23] : memref<4x1000x128xf32, #tpu.memory_space<vmem>>, vector<1x1000x128xf32>
    %get3A_25 = vector.shape_cast %get3A_24 : vector<1x1000x128xf32> to vector<1000x128xf32>
    %get3A_26 = arith.constant 1 : index
    %get3A_27 = arith.constant 0 : index
    %get3A_28 = arith.constant 0 : index
    %get3A_29 = vector.load %arg2[%get3A_26, %get3A_27, %get3A_28] : memref<4x1000x128xf32, #tpu.memory_space<vmem>>, vector<1x1000x128xf32>
    %get3A_30 = vector.shape_cast %get3A_29 : vector<1x1000x128xf32> to vector<1000x128xf32>
    %get3A_31 = arith.constant 2 : index
    %get3A_32 = arith.constant 0 : index
    %get3A_33 = arith.constant 0 : index
    %get3A_34 = vector.load %arg2[%get3A_31, %get3A_32, %get3A_33] : memref<4x1000x128xf32, #tpu.memory_space<vmem>>, vector<1x1000x128xf32>
    %get3A_35 = vector.shape_cast %get3A_34 : vector<1x1000x128xf32> to vector<1000x128xf32>
    %get3A_36 = arith.constant 3 : index
    %get3A_37 = arith.constant 0 : index
    %get3A_38 = arith.constant 0 : index
    %get3A_39 = vector.load %arg2[%get3A_36, %get3A_37, %get3A_38] : memref<4x1000x128xf32, #tpu.memory_space<vmem>>, vector<1x1000x128xf32>
    %get3A_40 = vector.shape_cast %get3A_39 : vector<1x1000x128xf32> to vector<1000x128xf32>
    %concatenate3A_41 = tpu.concatenate %get3A_25, %get3A_30, %get3A_35, %get3A_40 in 1 : vector<1000x128xf32>, vector<1000x128xf32>, vector<1000x128xf32>, vector<1000x128xf32> -> vector<1000x512xf32>
    %add3A = arith.addf %concatenate3A, %concatenate3A_41 : vector<1000x512xf32>
    %get3A_42 = arith.constant 0 : index
    %get3A_43 = arith.constant 0 : index
    %get3A_44 = vector.load %arg3[%get3A_42, %get3A_43] : memref<512x512xf32, #tpu.memory_space<vmem>>, vector<512x512xf32>
    %dot_general3A = arith.constant dense<0.000000e+00> : vector<1000x512xf32>
    %dot_general3A_45 = tpu.matmul %add3A, %get3A_44, %dot_general3A {dimension_numbers = #tpu.dot_dimension_numbers<[1], [0], [0], [1], [0, 0, 1, 1], [], []>, transpose_lhs_hint = false} : vector<1000x512xf32>, vector<512x512xf32>, vector<1000x512xf32> -> vector<1000x512xf32>
    %get3A_46 = arith.constant 0 : index
    %get3A_47 = arith.constant 0 : index
    %get3A_48 = vector.load %arg4[%get3A_46, %get3A_47] : memref<1x512xf32, #tpu.memory_space<vmem>>, vector<1x512xf32>
    %add3A_49 = vector.broadcast %get3A_48 : vector<1x512xf32> to vector<1000x512xf32>
    %add3A_50 = arith.addf %dot_general3A_45, %add3A_49 : vector<1000x512xf32>
    %max3A = arith.constant 0.000000e+00 : f32
    %max3A_51 = vector.broadcast %max3A : f32 to vector<1000x512xf32>
    %max3A_52 = arith.maximumf %add3A_50, %max3A_51 : vector<1000x512xf32>
    %get3A_53 = arith.constant 0 : index
    %get3A_54 = arith.constant 0 : index
    %get3A_55 = arith.constant 0 : index
    %get3A_56 = vector.load %arg5[%get3A_53, %get3A_54, %get3A_55] : memref<1x1x1000xi32, #tpu.memory_space<vmem>>, vector<1x1x1000xi32>
    %get3A_57 = vector.shape_cast %get3A_56 : vector<1x1x1000xi32> to vector<1000xi32>
    %iota3A = tpu.iota {dimensions = array<i32: 0>} : vector<64x1000xi32>
    %broadcast_in_dim3A = vector.shape_cast %get3A_57 : vector<1000xi32> to vector<1x1000xi32>
    %eq3A_58 = vector.broadcast %broadcast_in_dim3A : vector<1x1000xi32> to vector<64x1000xi32>
    %eq3A_59 = arith.cmpi eq, %eq3A_58, %iota3A : vector<64x1000xi32>
    %jit3A = arith.constant 1.000000e+00 : f32
    %jit3A_60 = arith.constant 0.000000e+00 : f32
    %broadcast_in_dim3A_61 = vector.broadcast %jit3A : f32 to vector<64x1000xf32>
    %broadcast_in_dim3A_62 = vector.broadcast %jit3A_60 : f32 to vector<64x1000xf32>
    %select_n3A = arith.select %eq3A_59, %broadcast_in_dim3A_61, %broadcast_in_dim3A_62 : vector<64x1000xi1>, vector<64x1000xf32>
    %get3A_63 = arith.constant 0 : index
    %get3A_64 = arith.constant 0 : index
    %get3A_65 = vector.load %arg9[%get3A_63, %get3A_64] : memref<64x512xf32, #tpu.memory_space<vmem>>, vector<64x512xf32>
    %dot_general3A_66 = arith.constant dense<0.000000e+00> : vector<64x512xf32>
    %dot_general3A_67 = tpu.matmul %select_n3A, %max3A_52, %dot_general3A_66 {dimension_numbers = #tpu.dot_dimension_numbers<[1], [0], [0], [1], [0, 0, 1, 1], [], []>, transpose_lhs_hint = false} : vector<64x1000xf32>, vector<1000x512xf32>, vector<64x512xf32> -> vector<64x512xf32>
    %add3A_68 = arith.addf %get3A_65, %dot_general3A_67 : vector<64x512xf32>
    %swap3A = arith.constant 0 : index
    %swap3A_69 = arith.constant 0 : index
    %swap3A_70 = vector.load %arg9[%swap3A, %swap3A_69] : memref<64x512xf32, #tpu.memory_space<vmem>>, vector<64x512xf32>
    tpu.vector_store %arg9[%swap3A, %swap3A_69], %add3A_68 {strides = array<i32>} : memref<64x512xf32, #tpu.memory_space<vmem>>, vector<64x512xf32>,
    %get3A_71 = arith.constant 0 : index
    %get3A_72 = arith.constant 0 : index
    %get3A_73 = vector.load %arg10[%get3A_71, %get3A_72] : memref<64x128xf32, #tpu.memory_space<vmem>>, vector<64x128xf32>
    %broadcast_in_dim3A_74 = arith.constant 1.000000e+00 : f32
    %broadcast_in_dim3A_75 = vector.broadcast %broadcast_in_dim3A_74 : f32 to vector<1000x128xf32>
    %dot_general3A_76 = arith.constant dense<0.000000e+00> : vector<64x128xf32>
    %dot_general3A_77 = tpu.matmul %select_n3A, %broadcast_in_dim3A_75, %dot_general3A_76 {dimension_numbers = #tpu.dot_dimension_numbers<[1], [0], [0], [1], [0, 0, 1, 1], [], []>, transpose_lhs_hint = false} : vector<64x1000xf32>, vector<1000x128xf32>, vector<64x128xf32> -> vector<64x128xf32>
    %add3A_78 = arith.addf %get3A_73, %dot_general3A_77 : vector<64x128xf32>
    %swap3A_79 = arith.constant 0 : index
    %swap3A_80 = arith.constant 0 : index
    %swap3A_81 = vector.load %arg10[%swap3A_79, %swap3A_80] : memref<64x128xf32, #tpu.memory_space<vmem>>, vector<64x128xf32>
    tpu.vector_store %arg10[%swap3A_79, %swap3A_80], %add3A_78 {strides = array<i32>} : memref<64x128xf32, #tpu.memory_space<vmem>>, vector<64x128xf32>,
    %eq3A_82 = arith.constant 9 : i32
    %eq3A_83 = arith.cmpi eq, %arg0, %eq3A_82 : i32
    %convert_element_type3A_84 = arith.extui %eq3A_83 : i1 to i32
    %cond3A_85 = arith.constant 0 : i32
    %cond3A_86 = arith.cmpi ne, %convert_element_type3A_84, %cond3A_85 : i32
    scf.if %cond3A_86 {
      %get3A_87 = arith.constant 0 : index
      %get3A_88 = arith.constant 0 : index
      %get3A_89 = vector.load %arg10[%get3A_87, %get3A_88] : memref<64x128xf32, #tpu.memory_space<vmem>>, vector<64x1xf32>
      %max3A_90 = arith.constant 1.000000e+00 : f32
      %max3A_91 = vector.broadcast %max3A_90 : f32 to vector<64x1xf32>
      %max3A_92 = arith.maximumf %get3A_89, %max3A_91 : vector<64x1xf32>
      %get3A_93 = arith.constant 0 : index
      %get3A_94 = arith.constant 0 : index
      %get3A_95 = vector.load %arg9[%get3A_93, %get3A_94] : memref<64x512xf32, #tpu.memory_space<vmem>>, vector<64x512xf32>
      %div3A = vector.broadcast %max3A_92 : vector<64x1xf32> to vector<64x512xf32>
      %div3A_96 = arith.divf %get3A_95, %div3A : vector<64x512xf32>
      %get3A_97 = arith.constant 0 : index
      %get3A_98 = arith.constant 0 : index
      %get3A_99 = vector.load %arg6[%get3A_97, %get3A_98] : memref<512x64xf32, #tpu.memory_space<vmem>>, vector<512x64xf32>
      %dot_general3A_100 = arith.constant dense<0.000000e+00> : vector<64x64xf32>
      %dot_general3A_101 = tpu.matmul %div3A_96, %get3A_99, %dot_general3A_100 {dimension_numbers = #tpu.dot_dimension_numbers<[1], [0], [0], [1], [0, 0, 1, 1], [], []>, transpose_lhs_hint = false} : vector<64x512xf32>, vector<512x64xf32>, vector<64x64xf32> -> vector<64x64xf32>
      %get3A_102 = arith.constant 0 : index
      %get3A_103 = arith.constant 0 : index
      %get3A_104 = vector.load %arg7[%get3A_102, %get3A_103] : memref<1x64xf32, #tpu.memory_space<vmem>>, vector<1x64xf32>
      %add3A_105 = vector.broadcast %get3A_104 : vector<1x64xf32> to vector<64x64xf32>
      %add3A_106 = arith.addf %dot_general3A_101, %add3A_105 : vector<64x64xf32>
      %reduce_max3A = arith.constant dense<0xFF800000> : vector<64xf32>
      %reduce_max3A_107 = vector.multi_reduction <maximumf>, %add3A_106, %reduce_max3A [1] : vector<64x64xf32> to vector<64xf32>
      %broadcast_in_dim3A_108 = vector.shape_cast %reduce_max3A_107 : vector<64xf32> to vector<64x1xf32>
      %sub3A = vector.broadcast %broadcast_in_dim3A_108 : vector<64x1xf32> to vector<64x64xf32>
      %sub3A_109 = arith.subf %add3A_106, %sub3A : vector<64x64xf32>
      %exp3A = math.exp %sub3A_109 : vector<64x64xf32>
      %reduce_sum3A = arith.constant dense<0.000000e+00> : vector<64xf32>
      %reduce_sum3A_110 = vector.multi_reduction <add>, %exp3A, %reduce_sum3A [1] : vector<64x64xf32> to vector<64xf32>
      %broadcast_in_dim3A_111 = vector.shape_cast %reduce_sum3A_110 : vector<64xf32> to vector<64x1xf32>
      %log3A = math.log %broadcast_in_dim3A_111 : vector<64x1xf32>
      %sub3A_112 = vector.broadcast %log3A : vector<64x1xf32> to vector<64x64xf32>
      %sub3A_113 = arith.subf %sub3A_109, %sub3A_112 : vector<64x64xf32>
      %swap3A_114 = arith.constant 0 : index
      %swap3A_115 = arith.constant 0 : index
      %swap3A_116 = vector.load %arg8[%swap3A_114, %swap3A_115] : memref<64x64xf32, #tpu.memory_space<vmem>>, vector<64x64xf32>
      tpu.vector_store %arg8[%swap3A_114, %swap3A_115], %sub3A_113 {strides = array<i32>} : memref<64x64xf32, #tpu.memory_space<vmem>>, vector<64x64xf32>,
    } else {
    }
    return
  }
  func.func @transform_0(%arg0: i32) -> (i32, i32, i32) {
    %c0_i32 = arith.constant 0 : i32
    %c0_i32_0 = arith.constant 0 : i32
    %c0_i32_1 = arith.constant 0 : i32
    return %c0_i32, %arg0, %c0_i32_0 : i32, i32, i32
  }
  func.func @transform_1(%arg0: i32) -> (i32, i32, i32) {
    %c0_i32 = arith.constant 0 : i32
    %c0_i32_0 = arith.constant 0 : i32
    %c0_i32_1 = arith.constant 0 : i32
    return %c0_i32, %arg0, %c0_i32_0 : i32, i32, i32
  }
  func.func @transform_2(%arg0: i32) -> (i32, i32) {
    %c0_i32 = arith.constant 0 : i32
    %c0_i32_0 = arith.constant 0 : i32
    %c0_i32_1 = arith.constant 0 : i32
    return %c0_i32, %c0_i32_0 : i32, i32
  }
  func.func @transform_3(%arg0: i32) -> (i32, i32) {
    %c0_i32 = arith.constant 0 : i32
    %c0_i32_0 = arith.constant 0 : i32
    %c0_i32_1 = arith.constant 0 : i32
    return %c0_i32, %c0_i32_0 : i32, i32
  }
  func.func @transform_4(%arg0: i32) -> (i32, i32, i32) {
    %c0_i32 = arith.constant 0 : i32
    %c0_i32_0 = arith.constant 0 : i32
    %c0_i32_1 = arith.constant 0 : i32
    return %arg0, %c0_i32, %c0_i32_0 : i32, i32, i32
  }
  func.func @transform_5(%arg0: i32) -> (i32, i32) {
    %c0_i32 = arith.constant 0 : i32
    %c0_i32_0 = arith.constant 0 : i32
    %c0_i32_1 = arith.constant 0 : i32
    return %c0_i32, %c0_i32_0 : i32, i32
  }
  func.func @transform_6(%arg0: i32) -> (i32, i32) {
    %c0_i32 = arith.constant 0 : i32
    %c0_i32_0 = arith.constant 0 : i32
    %c0_i32_1 = arith.constant 0 : i32
    return %c0_i32, %c0_i32_0 : i32, i32
  }
  func.func @transform_7(%arg0: i32) -> (i32, i32) {
    %c0_i32 = arith.constant 0 : i32
    %c0_i32_0 = arith.constant 0 : i32
    %c0_i32_1 = arith.constant 0 : i32
    return %c0_i32, %c0_i32_0 : i32, i32
  }
}

</mosaic_0001>

<sc_bundles>
// kernel: kernel.6.cloned.1.call-start
scs
__scs_entry_jumppad:
0x0: {  	(pc) =	sbr.rel $0x88, $3  }
0x1: {  	(tag) =	ssettag $0x0;
	lr =	simm.s32 $0x1  }
0x2: {  	[smem:$0x3F98] =	sst lr;
	_ =	strace $0xD0000000  }
0x3: {  	_ = 	snop  }
0x4: {  	_ = 	snop  }
0x5: {  	_ = 	snop  }
0x6: {  	_ = 	snop  }
0x7: {  	_ = 	snop  }
__scs_overlays_trampoline_lowered:
0x8: {  	[smem:$0x3FA7] =	sst s0  }
0x9: {  	[smem:$0x3FA8] =	sst s1  }
0xa: {  	[smem:$0x3FA9] =	sst s2  }
0xb: {  	[smem:$0x3FAA] =	sst s3  }
0xc: {  	[smem:$0x3FAB] =	sst s4  }
0xd: {  	[smem:$0x3FAC] =	sst s5  }
0xe: {  	[smem:$0x3FAD] =	sst s6  }
0xf: {  	[smem:$0x3FAE] =	sst s7  }
0x10: {  	[smem:$0x3FAF] =	sst s8  }
0x11: {  	[smem:$0x3FB0] =	sst s9;
	s0 =	simm.s32 @!p0 $0x0  }
0x12: {  	s1 =	sld [smem:$0x3F96];
	s0 =	simm.s32 @p0 $0x1  }
0x13: {  	[smem:$0x3FB1] =	sst s0;
	s0 =	simm.s32 @!p1 $0x0  }
0x14: {  	s2 =	sld [smem:$0x3F95];
	s0 =	simm.s32 @p1 $0x1  }
0x15: {  	[smem:$0x3FB2] =	sst s0;
	s0 =	simm.s32 @!p2 $0x0  }
0x16: {  	s3 =	sld [smem:$0x3FDB];
	s0 =	simm.s32 @p2 $0x1  }
0x17: {  	s4 =	simm.s32 $0x1BF5;
	[smem:$0x3FB4] =	sst s0  }
0x18: {  	s0 =	sld [smem:$0x3F97];
	_ =	swait.ge [sflag:s4], $0x0  }
0x19: {  	s7 =	sld [smem:$0x3F98]  }
0x1a: {  	s8 =	sadd.s32 $0xFFFFE003, lr  }
0x1b: {  	s9 =	sadd.s32 $0xFFFFFEF7, lr;
	s5 =	simm.s32 $0xFFFFFFFF;
	p2 =	slt.u32 s8, $0xFFFFF086  }
0x1c: {  	p1 =	slt.u32 s9, $0xF7A;
	s5 =	simm.s32 @!p2 $0x0  }
0x1d: {  	s5 =	simm.s32 @p1 $0x1;
	p0 =	seq.s32 s7, s2  }
0x1e: {  	s7 =	smul.u32 @!p0 $0xF7A, s2;
	p2 =	seq.s32 @!p0 s5, $0x0  }
0x1f: {  	s9 =	smul.u32 $0xF7A, s1;
	s8 =	simm.s32 @!p0 $0x1BF5;
	p2 =	por !p2, p0  }
0x20: {  	[sflag:s8] =	ssyncset.s32 @!p0 $0xFFFFF086;
	s6 =	sadd.s32 @!p0 s3, s7;
	s7 =	simm.s32 @!p0 $0x108  }
0x21: {  	s3 =	sadd.s32 s3, s9;
	s6 =	sadd.s32 @!p0 $0x88, s6;
	s7 =	simm.s32 @p2 $0x1082  }
0x22: {  	[simem:s7], [sflag:s8] =	dma.local @!p0 [hbm:s6], $0xF7A  }
0x23: {  	s9 =	sor.u32 $0xD0000000, s2;
	s6 =	simm.s32 $0x108;
	_ =	swait.ge @!p0 [sflag:s8], $0x0  }
0x24: {  	s3 =	sadd.s32 $0x88, s3;
	s6 =	simm.s32 @!p1 $0x1082;
	[sflag:s4] =	ssyncset.s32 $0xFFFFF086  }
0x25: {  	[simem:s6], [sflag:s4] =	dma.local [hbm:s3], $0xF7A  }
0x26: {  	[smem:$0x3F98] =	sst s1;
	(tag) =	ssettag s2;
	_ =	strace s9  }
0x27: {  	s1 =	sld [smem:$0x3FA8]  }
0x28: {  	s2 =	sld [smem:$0x3FA9]  }
0x29: {  	s4 =	sld [smem:$0x3FAB]  }
0x2a: {  	p0 =	seq.s32 s5, $0x0;
	s5 =	sld [smem:$0x3FAC]  }
0x2b: {  	s6 =	sld [smem:$0x3FAD]  }
0x2c: {  	s7 =	sld [smem:$0x3FAE]  }
0x2d: {  	s3 =	simm.s32 $0x108;
	s8 =	sld [smem:$0x3FAF]  }
0x2e: {  	s3 =	simm.s32 @!p0 $0x1082;
	s9 =	sld [smem:$0x3FB0]  }
0x2f: {  	lr =	sadd.s32 s0, s3;
	s0 =	sld [smem:$0x3FA7]  }
0x30: {  	s3 =	sld [smem:$0x3FAA]  }
0x31: {  	[smem:$0x3FB3] =	sst s10  }
0x32: {  	s10 =	sld [smem:$0x3FB1];
	_ =	sdelay $0x3  }
0x33: {  	p0 =	seq.s32 s10, $0x1;
	s10 =	sld [smem:$0x3FB3];
	_ =	sdelay $0x3  }
0x34: {  	[smem:$0x3FB3] =	sst s10  }
0x35: {  	s10 =	sld [smem:$0x3FB2];
	_ =	sdelay $0x3  }
0x36: {  	p1 =	seq.s32 s10, $0x1;
	s10 =	sld [smem:$0x3FB3];
	_ =	sdelay $0x3  }
0x37: {  	[smem:$0x3FB3] =	sst s10  }
0x38: {  	s10 =	sld [smem:$0x3FB4]  }
0x39: {  	_ = 	snop;
	(pc) =	sbr.ind lr, $3  }
0x3a: {  	_ = 	snop  }
0x3b: {  	_ = 	snop  }
0x3c: {  	p2 =	seq.s32 s10, $0x1;
	s10 =	sld [smem:$0x3FB3]  }
0x3d: {  	_ =	shalt  }
0x3e: {  	_ =	shalt  }
0x3f: {  	_ =	shalt  }
0x40: {  	_ =	shalt  }
0x41: {  	_ =	shalt  }
0x42: {  	_ =	shalt  }
0x43: {  	_ =	shalt  }
0x44: {  	_ =	shalt  }
0x45: {  	_ =	shalt  }
0x46: {  	_ =	shalt  }
0x47: {  	_ =	shalt  }
0x48: {  	_ =	shalt  }
0x49: {  	_ =	shalt  }
0x4a: {  	_ =	shalt  }
0x4b: {  	_ =	shalt  }
0x4c: {  	_ =	shalt  }
0x4d: {  	_ =	shalt  }
0x4e: {  	_ =	shalt  }
0x4f: {  	_ =	shalt  }
0x50: {  	_ =	shalt  }
0x51: {  	_ =	shalt  }
0x52: {  	_ =	shalt  }
0x53: {  	_ =	shalt  }
0x54: {  	_ =	shalt  }
0x55: {  	_ =	shalt  }
0x56: {  	_ =	shalt  }
0x57: {  	_ =	shalt  }
0x58: {  	_ =	shalt  }
0x59: {  	_ =	shalt  }
0x5a: {  	_ =	shalt  }
0x5b: {  	_ =	shalt  }
0x5c: {  	_ =	shalt  }
0x5d: {  	_ =	shalt  }
0x5e: {  	_ =	shalt  }
0x5f: {  	_ =	shalt  }
0x60: {  	_ =	shalt  }
0x61: {  	_ =	shalt  }
0x62: {  	_ =	shalt  }
0x63: {  	_ =	shalt  }
0x64: {  	_ =	shalt  }
0x65: {  	_ =	shalt  }
0x66: {  	_ =	shalt  }
0x67: {  	_ =	shalt  }
0x68: {  	_ =	shalt  }
0x69: {  	_ =	shalt  }
0x6a: {  	_ =	shalt  }
0x6b: {  	_ =	shalt  }
0x6c: {  	_ =	shalt  }
0x6d: {  	_ =	shalt  }
0x6e: {  	_ =	shalt  }
0x6f: {  	_ =	shalt  }
0x70: {  	_ =	shalt  }
0x71: {  	_ =	shalt  }
0x72: {  	_ =	shalt  }
0x73: {  	_ =	shalt  }
0x74: {  	_ =	shalt  }
0x75: {  	_ =	shalt  }
0x76: {  	_ =	shalt  }
0x77: {  	_ =	shalt  }
0x78: {  	_ =	shalt  }
0x79: {  	_ =	shalt  }
0x7a: {  	_ =	shalt  }
0x7b: {  	_ =	shalt  }
0x7c: {  	_ =	shalt  }
0x7d: {  	_ =	shalt  }
0x7e: {  	_ =	shalt  }
0x7f: {  	_ =	shalt  }
0x80: {  	_ =	shalt  }
0x81: {  	_ =	shalt  }
0x82: {  	_ =	shalt  }
0x83: {  	_ =	shalt  }
0x84: {  	_ =	shalt  }
0x85: {  	_ =	shalt  }
0x86: {  	_ =	shalt  }
0x87: {  	_ =	shalt  }
.Lfunc_end0:
.L_simem_size_0:
called_computation_lowered:
.L_overlay_start_0:
0x88: {  	s2 =	sld [smem:$0x3FD9]  }
0x89: {  	s3 =	sld [smem:$0x3FFE];
	_ =	sdelay $0x1  }
0x8a: {  	s1 =	srdreg.scid  }
0x8b: {  	s0 =	sand.u32 $0x1, s1  }
0x8c: {  	s16 =	sshll.u32 s0, $0xA;
	s2 =	sadd.s32 s3, s2  }
0x8d: {  	s2 =	sadd.s32 s2, s16  }
0x8e: {  	[smem:$0x3FBF] =	sst s2  }
0x8f: {  	_ = 	snop  }
0x90: {  	(tm) =	ssettm $0x1  }
0x91: {  	s17 =	sld [smem:$0x3FFB];
	_ =	sdelay $0x3  }
0x92: {  	_ =	strace s17  }
0x93: {  	s2 =	sld [smem:$0x3FFC];
	_ =	sdelay $0x3  }
0x94: {  	_ =	strace s2  }
0x95: {  	s2 =	sld [smem:$0x3FFD];
	_ =	sdelay $0x3  }
0x96: {  	_ =	strace s2  }
0x97: {  	_ =	strace $0x8FFFFFFF  }
0x98: {  	s18 =	sld [smem:$0x3FDB];
	_ =	sdelay $0x1  }
0x99: {  	s19 =	simm.s32 $_scs_section_size  }
0x9a: {  	s4 =	simm.s32 $_size__tile_overlayer_lowered;
	s5 =	simm.s32 $_tile_overlayer_lowered  }
0x9b: {  	s22 =	simm.s32 $0x1BFF;
	s21 =	sshll.u32 s5, $0x1;
	s2 =	sadd.s32 s19, s18  }
0x9c: {  	s6 =	simm.s32 $0x0;
	s20 =	sshll.u32 s4, $0x1;
	s4 =	sadd.s32 s21, s2  }
0x9d: {  	[timem:s6], [sflag:s22] =	dma.local [hbm:s4], s20  }
0x9e: {  	_ =	swait.ge [sflag:s22], s20  }
0x9f: {  	s3 =	ssub.s32 $0x0, s20;
	[sflag:s22] =	ssyncset.done $0x0  }
0xa0: {  	[sflag:s22] =	ssyncadd.s32 s3;
	_ =	sdelay $0x1  }
0xa1: {  	s23 =	simm.s32 $0x1B8B  }
0xa2: {  	_ =	swait.ge [sflag:s23], $0x1  }
0xa3: {  	[sflag:s23] =	ssyncset.done $0x0  }
0xa4: {  	s25 =	simm.s32 $0x1B8E;
	s24 =	sld [smem:$0x3FFE];
	[sflag:s23] =	ssyncadd.s32 $0xFFFFFFFF  }
0xa5: {  	s26 =	simm.s32 $execute0_lowered;
	[smem:$0x3FD2] =	sst s25  }
0xa6: {  	s4 =	sshll.u32 s26, $0x1;
	_ =	strace $0x80000046;
	[dreg:$0x1] =	wrdreg $0xFFFFFFFF  }
0xa7: {  	s28 =	simm.s32 $_size_execute0_lowered;
	s2 =	sadd.s32 s2, s4;
	[dreg:$0x0] =	wrdreg $0x0  }
0xa8: {  	s4 =	sshll.u32 s28, $0x1;
	[dreg:$0x2] =	wrdreg s2  }
0xa9: {  	[dreg:$0x3] =	wrdreg s4  }
0xaa: {  	[dreg:$0x4] =	wrdreg $0xC0  }
0xab: {  	_ =	task [dreg:s6], $0x5FFFF  }
0xac: {  	[dreg:$0x1] =	wrdreg $0xFFFFFFFF  }
0xad: {  	[dreg:$0x0] =	wrdreg $0x60  }
0xae: {  	[dreg:$0x2] =	wrdreg s24  }
0xaf: {  	[dreg:$0x3] =	wrdreg $0xA9000  }
0xb0: {  	[dreg:$0x4] =	wrdreg $0x9  }
0xb1: {  	_ =	task.clear_ibuf [dreg:s6], $0x5FFFF;
	_ =	strace $0x90000046  }
0xb2: {  	s29 =	simm.s32 $0x9;
	_ =	strace $0x80000048  }
0xb3: {  	_ =	swait.ge [sflag:s29], $0x1  }
0xb4: {  	[sflag:s29] =	ssyncadd.s32 $0xFFFFFFFF  }
0xb5: {  	_ =	strace $0x90000048  }
0xb6: {  	_ =	sfence  }
0xb7: {  	s30 =	sld [smem:$0x0];
	_ =	sdelay $0x2  }
0xb8: {  	s31 =	sshll.u32 s1, $0xD;
	s1 =	sshrl.u32 s1, $0x2  }
0xb9: {  	s3 =	sand.u32 $0x4000, s31;
	s1 =	sadd.s32 s1, s30  }
0xba: {  	s0 =	sor.u32 s3, s0;
	s1 =	sshll.u32 s1, $0x11  }
0xbb: {  	s0 =	sor.u32 s1, s0  }
0xbc: {  	s0 =	sadd.s32 $0x8F2B, s0  }
0xbd: {  	[sflag:s0] =	ssyncadd.remote.s32 $0x1  }
0xbe: {  	_ =	sfence.sel $0xFFFF  }
0xbf: {  	[dreg:$0x0] =	wrdreg $0xFFFFFFFF;
	(pc) =	sbr.abs _section_cstart, $3  }
0xc0: {  	[dreg:$0x1] =	wrdreg $0xFFFFFFFF  }
0xc1: {  	_ =	task.clear_ibuf [dreg:s6], $0x2FFFF;
	_ =	strace $0x9FFFFFFF  }
0xc2: {  	(tm) =	ssettm $0x7FFFFFFF  }
0xc3: {  	_ =	shalt  }
tec
execute0_lowered:
.L_overlay_start_1:
0x0: {  	(tag) =	ssettag $0x1  }
0x1: {  	s0 =	rddreg [dreg:$0x0]  }
0x2: {  	s1 =	rddreg [dreg:$0x1]  }
0x3: {  	s22 =	stileid.u32;
	s4 =	srdreg.scid  }
0x4: {  	s2 =	simm.s32 $0x0;
	s14 =	simm.s32 $0x2880;
	s17 =	simm.s32 $0x1  }
0x5: {  	s18 =	simm.s32 $0x80;
	s19 =	simm.s32 $0x2900;
	s20 =	simm.s32 $0x2  }
0x6: {  	s21 =	simm.s32 $0x6900;
	s23 =	simm.s32 $0x4;
	s3 =	smul.u32 $0x500, s22  }
0x7: {  	s28 =	simm.s32 $0x6;
	s31 =	simm.s32 $0x0;
	s5 =	smul.u32 $0x2780, s22  }
0x8: {  	s4 =	sand.u32 $0x1, s4;
	[smem:$0x7FF] =	sst s2;
	s24 =	smul.u32 $0x4F000, s22  }
0x9: {  	s9 =	smul.u32 $0x270, s22;
	s12 =	sshll.u32 s22, $0x6;
	p0 =	sne.s32 s22, $0x0  }
0xa: {  	s22 =	simm.s32 $0x3;
	s6 =	smul.u32 $0x27100, s4;
	_ =	strace $0x80000047  }
0xb: {  	s4 =	ssub.s32 $0x2, s4;
	s7 =	sadd.s32 s3, s0;
	s5 =	sadd.s32 s5, s0  }
0xc: {  	s25 =	sshrl.u32 s4, $0x1;
	s8 =	sshrl.u32 s24, $0x2;
	s29 =	sadd.s32 $0x10, s9  }
0xd: {  	s9 =	simm.s32 $0x7;
	s0 =	sadd.s32 s6, s0;
	s10 =	ssub.s32 s4, s25  }
0xe: {  	s26 =	sadd.s32 $0x56200, s7;
	s11 =	sadd.s32 s8, s1;
	s4 =	sadd.s32 $0x5B200, s5  }
0xf: {  	s5 =	sadd.s32 $0x51200, s7;
	s30 =	sshll.u32 s29, $0x7;
	s24 =	sshll.u32 s29, $0x4  }
.Ltmp0:
0x10: {  	[dreg:$0x3] =	wrdreg s26;
	s6 =	sadd.s32 $0x3000, s0;
	(pc) =	sbr.rel .LBB2_1-.Ltmp0, $4  }
0x11: {  	s7 =	sadd.s32 $0x82A00, s0;
	s0 =	sadd.s32 s30, s1;
	s8 =	smax.u32 s10, $0x1  }
0x12: {  	s10 =	sor.u32 $0x1C07, s12;
	s11 =	sshrl.u32 s11, $0x3;
	s12 =	simm.s32 $0x2800  }
0x13: {  	s13 =	sadd.s32 $0x10, s5;
	s15 =	sadd.s32 $0x20, s5;
	s16 =	sadd.s32 $0x30, s5  }
0x14: {  	s26 =	simm.s32 $0x5;
	s24 =	sadd.s32 @p0 s24, s7;
	s25 =	sshrl.u32 @p0 s0, $0x3  }
.LBB2_4:
0x15: {  	s0 =	simm.s32 $0x2700  }
0x16: {  	[spmem:s1] =	stream.indirect.scatter.add.f32 [tilespmem:s19], [sflag:$0x5], $0x80, s0, s18, $0xb8;
	[tilespmem:$0x1E500] =	vst v63  }
0x17: {  	_ =	swait.ge [sflag:s23], $0x4000  }
0x18: {  	[sflag:s23] =	ssyncset.done $0x0  }
0x19: {  	s30 =	simm.s32 $0x2780;
	[sflag:s23] =	ssyncadd.s32 $0xFFFFC000  }
0x1a: {  	[spmem:s1] =	stream.indirect.scatter.add.f32 [tilespmem:s21], [sflag:$0x6], $0x80, s30, s18, $0xb8;
	[tilespmem:$0x1E500] =	vst v63  }
0x1b: {  	_ =	swait.ge [sflag:s26], $0x4000  }
0x1c: {  	[sflag:s26] =	ssyncset.done $0x0  }
0x1d: {  	[sflag:s26] =	ssyncadd.s32 $0xFFFFC000  }
0x1e: {  	_ =	swait.ge [sflag:s28], $0x4000  }
0x1f: {  	[sflag:s28] =	ssyncset.done $0x0  }
0x20: {  	[sflag:s28] =	ssyncadd.s32 $0xFFFFC000  }
0x21: {  	s0 =	simm.s32 @p0 $0x7;
	[bflag:$0x0] =	sbarrier.arrive $0xFFFF  }
0x22: {  	[hbm:s24], [sflag:s10] =	dma.local @p0 [spmem:s25], $0x2700  }
0x23: {  	_ =	swait.ge @p0 [sflag:s0], $0x2700  }
0x24: {  	[sflag:s0] =	ssyncset.done @p0 $0x0  }
0x25: {  	s31 =	sadd.s32 $0x1, s31;
	[sflag:s0] =	ssyncadd.s32 @p0 $0xFFFFD900;
	s0 =	sshrl.u32 @!p0 s1, $0x3  }
0x26: {  	[hbm:s7], [sflag:s10] =	dma.local @!p0 [spmem:s0], $0x2800  }
0x27: {  	p1 =	sne.s32 s31, s8;
	s0 =	simm.s32 @!p0 $0x7  }
.Ltmp1:
0x28: {  	_ =	swait.ge @!p0 [sflag:s0], $0x2800;
	(pc) =	sbr.rel @!p1 .LBB2_5-.Ltmp1, $3  }
0x29: {  	[sflag:s0] =	ssyncset.done @!p0 $0x0  }
0x2a: {  	[sflag:s0] =	ssyncadd.s32 @!p0 $0xFFFFD800  }
0x2b: {  	[bflag:$0x0] =	sbarrier.arrive $0xFFFF;
	_ =	sdelay $0x1  }
.LBB2_1:
0x2c: {  	s0 =	rddreg [dreg:$0x3]  }
0x2d: {  	[tilespmem:s2], [sflag:$0x7] =	stream.linear.gather [hbm4b:s0+s2], $0x2800, $0x38;
	[tilespmem:$0x1E500] =	vst v63  }
0x2e: {  	_ =	swait.ge [sflag:s9], $0x2800  }
0x2f: {  	[sflag:s9] =	ssyncset.done $0x0  }
0x30: {  	[sflag:s9] =	ssyncadd.s32 $0xFFFFD800  }
0x31: {  	[spmem:s11], [sflag:s10] =	dma.local [hbm:s4], $0x2780  }
0x32: {  	_ =	swait.ge [sflag:s9], $0x2780  }
0x33: {  	[sflag:s9] =	ssyncset.done $0x0  }
0x34: {  	[sflag:s9] =	ssyncadd.s32 $0xFFFFD880  }
0x35: {  	[tilespmem:s12], [sflag:$0x1] =	stream.linear.gather [hbm4b:s5+s2], $0x80, $0x38;
	[tilespmem:$0x1E500] =	vst v63  }
0x36: {  	_ = 	snop  }
0x37: {  	[tilespmem:s14], [sflag:$0x2] =	stream.linear.gather [hbm4b:s13+s2], $0x80, $0x38;
	[tilespmem:$0x1E500] =	vst v63  }
0x38: {  	[bflag:$0x0] =	sbarrier.arrive $0xFFFF  }
0x39: {  	_ =	swait.ge [sflag:s17], $0x80  }
0x3a: {  	[sflag:s17] =	ssyncset.done $0x0  }
0x3b: {  	[sflag:s17] =	ssyncadd.s32 $0xFFFFFF80  }
0x3c: {  	[tilespmem:s19], [sflag:$0x3] =	stream.indirect.gather [hbm4b:s6+s18], $0x80, s12, s18, $0xb8;
	[tilespmem:$0x1E500] =	vst v63  }
0x3d: {  	_ =	swait.ge [sflag:s20], $0x80  }
0x3e: {  	[sflag:s20] =	ssyncset.done $0x0  }
0x3f: {  	[sflag:s20] =	ssyncadd.s32 $0xFFFFFF80  }
0x40: {  	[tilespmem:s21], [sflag:$0x4] =	stream.indirect.gather [hbm4b:s6+s18], $0x80, s14, s18, $0xb8;
	[tilespmem:$0x1E500] =	vst v63  }
0x41: {  	_ =	swait.ge [sflag:s22], $0x4000  }
0x42: {  	[sflag:s22] =	ssyncset.done $0x0  }
0x43: {  	[sflag:s22] =	ssyncadd.s32 $0xFFFFC000  }
0x44: {  	[tilespmem:s12], [sflag:$0x1] =	stream.linear.gather [hbm4b:s15+s2], $0x80, $0x38;
	[tilespmem:$0x1E500] =	vst v63  }
0x45: {  	_ = 	snop  }
0x46: {  	[spmem:s1] =	stream.indirect.scatter.add.f32 [tilespmem:s19], [sflag:$0x5], $0x80, s2, s18, $0xb8;
	[tilespmem:$0x1E500] =	vst v63  }
0x47: {  	_ =	swait.ge [sflag:s23], $0x4000  }
0x48: {  	[sflag:s23] =	ssyncset.done $0x0  }
0x49: {  	[sflag:s23] =	ssyncadd.s32 $0xFFFFC000  }
0x4a: {  	[tilespmem:s14], [sflag:$0x2] =	stream.linear.gather [hbm4b:s16+s2], $0x80, $0x38;
	[tilespmem:$0x1E500] =	vst v63  }
0x4b: {  	s29 =	simm.s32 $0xFFFF6800;
	s0 =	sadd.s32 $0x40, s5  }
0x4c: {  	[spmem:s1] =	stream.indirect.scatter.add.f32 [tilespmem:s21], [sflag:$0x6], $0x80, s18, s18, $0xb8;
	[tilespmem:$0x1E500] =	vst v63  }
.LBB2_2:
0x4d: {  	_ =	swait.ge [sflag:s17], $0x80  }
0x4e: {  	[sflag:s17] =	ssyncset.done $0x0  }
0x4f: {  	[sflag:s17] =	ssyncadd.s32 $0xFFFFFF80  }
0x50: {  	_ =	swait.ge [sflag:s26], $0x4000  }
0x51: {  	[sflag:s26] =	ssyncset.done $0x0  }
0x52: {  	[sflag:s26] =	ssyncadd.s32 $0xFFFFC000  }
0x53: {  	[tilespmem:s19], [sflag:$0x3] =	stream.indirect.gather [hbm4b:s6+s18], $0x80, s12, s18, $0xb8;
	[tilespmem:$0x1E500] =	vst v63  }
0x54: {  	_ =	swait.ge [sflag:s20], $0x80  }
0x55: {  	[sflag:s20] =	ssyncset.done $0x0  }
0x56: {  	[sflag:s20] =	ssyncadd.s32 $0xFFFFFF80  }
0x57: {  	_ =	swait.ge [sflag:s28], $0x4000  }
0x58: {  	p1 =	seq.s32 s29, $0x0;
	[sflag:s28] =	ssyncset.done $0x0  }
.Ltmp2:
0x59: {  	[sflag:s28] =	ssyncadd.s32 $0xFFFFC000;
	(pc) =	sbr.rel @p1 .LBB2_4-.Ltmp2, $4  }
0x5a: {  	[tilespmem:s21], [sflag:$0x4] =	stream.indirect.gather [hbm4b:s6+s18], $0x80, s14, s18, $0xb8;
	[tilespmem:$0x1E500] =	vst v63  }
0x5b: {  	_ =	swait.ge [sflag:s22], $0x4000  }
0x5c: {  	[sflag:s22] =	ssyncset.done $0x0  }
0x5d: {  	[sflag:s22] =	ssyncadd.s32 $0xFFFFC000  }
0x5e: {  	[tilespmem:s12], [sflag:$0x1] =	stream.linear.gather [hbm4b:s0+s2], $0x80, $0x38;
	[tilespmem:$0x1E500] =	vst v63  }
0x5f: {  	s30 =	sshra.s32 s29, $0x2  }
0x60: {  	s3 =	sadd.s32 $0x2700, s30  }
0x61: {  	[spmem:s1] =	stream.indirect.scatter.add.f32 [tilespmem:s19], [sflag:$0x5], $0x80, s3, s18, $0xb8;
	[tilespmem:$0x1E500] =	vst v63  }
0x62: {  	_ =	swait.ge [sflag:s23], $0x4000  }
.Ltmp3:
0x63: {  	[sflag:s23] =	ssyncset.done $0x0;
	(pc) =	sbr.rel .LBB2_2-.Ltmp3, $4  }
0x64: {  	s3 =	sadd.s32 $0x10, s0;
	[sflag:s23] =	ssyncadd.s32 $0xFFFFC000  }
0x65: {  	[tilespmem:s14], [sflag:$0x2] =	stream.linear.gather [hbm4b:s3+s2], $0x80, $0x38;
	[tilespmem:$0x1E500] =	vst v63  }
0x66: {  	s29 =	sadd.s32 $0x400, s29;
	s30 =	sadd.s32 $0x2780, s30;
	s0 =	sadd.s32 $0x20, s0  }
0x67: {  	[spmem:s1] =	stream.indirect.scatter.add.f32 [tilespmem:s21], [sflag:$0x6], $0x80, s30, s18, $0xb8;
	[tilespmem:$0x1E500] =	vst v63  }
.LBB2_5:
0x68: {  	_ =	sfence.sel $0x180000  }
0x69: {  	[bflag:$0x0] =	sbarrier.arrive $0xFFFF  }
0x6a: {  	_ =	strace $0x90000047  }
0x6b: {  	[bflag:$0x2] =	sbarrier.arrive $0xFFFF  }
0x6c: {  	s0 =	rddreg [dreg:$0x2]  }
0x6d: {  	s0 =	sadd.s32 @!p0 $0x100000, s0  }
0x6e: {  	[sflag:s0] =	ssyncadd.tile.s32 @!p0 $0x1;
	_ =	shalt  }
.Lfunc_end2:
_tile_overlayer_lowered:
.L_overlay_start_2:
0x6f: {  	(tag) =	ssettag $0x2  }
0x70: {  	s0 =	rddreg [dreg:$0x0];
	s2 =	stileid.u32  }
0x71: {  	s1 =	rddreg [dreg:$0x1];
	p0 =	sne.s32 s2, $0x0  }
0x72: {  	s3 =	rddreg [dreg:$0x2];
	[bflag:$0x3] =	sbarrier.arrive $0xFFFF;
	s2 =	simm.s32 @!p0 $0x1C07  }
0x73: {  	[timem:s3], [sflag:s2] =	dma.local @!p0 [hbm:s0], s1  }
0x74: {  	s0 =	simm.s32 @!p0 $0x7  }
0x75: {  	_ =	swait.ge @!p0 [sflag:s0], s1  }
0x76: {  	s1 =	ssub.s32 @!p0 $0x0, s1;
	[sflag:s0] =	ssyncset.done @!p0 $0x0  }
0x77: {  	[sflag:s0] =	ssyncadd.s32 @!p0 s1  }
0x78: {  	[bflag:$0x3] =	sbarrier.arrive $0xFFFF  }
0x79: {  	_ =	shalt  }

// kernel: kernel.9.cloned.1.call-start
scs
__scs_entry_jumppad:
0x0: {  	(pc) =	sbr.rel $0x88, $3  }
0x1: {  	(tag) =	ssettag $0x0;
	lr =	simm.s32 $0x1  }
0x2: {  	[smem:$0x3F98] =	sst lr;
	_ =	strace $0xD0000000  }
0x3: {  	_ = 	snop  }
0x4: {  	_ = 	snop  }
0x5: {  	_ = 	snop  }
0x6: {  	_ = 	snop  }
0x7: {  	_ = 	snop  }
__scs_overlays_trampoline_lowered:
0x8: {  	[smem:$0x3FA7] =	sst s0  }
0x9: {  	[smem:$0x3FA8] =	sst s1  }
0xa: {  	[smem:$0x3FA9] =	sst s2  }
0xb: {  	[smem:$0x3FAA] =	sst s3  }
0xc: {  	[smem:$0x3FAB] =	sst s4  }
0xd: {  	[smem:$0x3FAC] =	sst s5  }
0xe: {  	[smem:$0x3FAD] =	sst s6  }
0xf: {  	[smem:$0x3FAE] =	sst s7  }
0x10: {  	[smem:$0x3FAF] =	sst s8  }
0x11: {  	[smem:$0x3FB0] =	sst s9;
	s0 =	simm.s32 @!p0 $0x0  }
0x12: {  	s1 =	sld [smem:$0x3F96];
	s0 =	simm.s32 @p0 $0x1  }
0x13: {  	[smem:$0x3FB1] =	sst s0;
	s0 =	simm.s32 @!p1 $0x0  }
0x14: {  	s2 =	sld [smem:$0x3F95];
	s0 =	simm.s32 @p1 $0x1  }
0x15: {  	[smem:$0x3FB2] =	sst s0;
	s0 =	simm.s32 @!p2 $0x0  }
0x16: {  	s3 =	sld [smem:$0x3FDB];
	s0 =	simm.s32 @p2 $0x1  }
0x17: {  	s4 =	simm.s32 $0x1BF5;
	[smem:$0x3FB4] =	sst s0  }
0x18: {  	s0 =	sld [smem:$0x3F97];
	_ =	swait.ge [sflag:s4], $0x0  }
0x19: {  	s7 =	sld [smem:$0x3F98]  }
0x1a: {  	s8 =	sadd.s32 $0xFFFFE003, lr  }
0x1b: {  	s9 =	sadd.s32 $0xFFFFFEF7, lr;
	s5 =	simm.s32 $0xFFFFFFFF;
	p2 =	slt.u32 s8, $0xFFFFF086  }
0x1c: {  	p1 =	slt.u32 s9, $0xF7A;
	s5 =	simm.s32 @!p2 $0x0  }
0x1d: {  	s5 =	simm.s32 @p1 $0x1;
	p0 =	seq.s32 s7, s2  }
0x1e: {  	s7 =	smul.u32 @!p0 $0xF7A, s2;
	p2 =	seq.s32 @!p0 s5, $0x0  }
0x1f: {  	s9 =	smul.u32 $0xF7A, s1;
	s8 =	simm.s32 @!p0 $0x1BF5;
	p2 =	por !p2, p0  }
0x20: {  	[sflag:s8] =	ssyncset.s32 @!p0 $0xFFFFF086;
	s6 =	sadd.s32 @!p0 s3, s7;
	s7 =	simm.s32 @!p0 $0x108  }
0x21: {  	s3 =	sadd.s32 s3, s9;
	s6 =	sadd.s32 @!p0 $0x88, s6;
	s7 =	simm.s32 @p2 $0x1082  }
0x22: {  	[simem:s7], [sflag:s8] =	dma.local @!p0 [hbm:s6], $0xF7A  }
0x23: {  	s9 =	sor.u32 $0xD0000000, s2;
	s6 =	simm.s32 $0x108;
	_ =	swait.ge @!p0 [sflag:s8], $0x0  }
0x24: {  	s3 =	sadd.s32 $0x88, s3;
	s6 =	simm.s32 @!p1 $0x1082;
	[sflag:s4] =	ssyncset.s32 $0xFFFFF086  }
0x25: {  	[simem:s6], [sflag:s4] =	dma.local [hbm:s3], $0xF7A  }
0x26: {  	[smem:$0x3F98] =	sst s1;
	(tag) =	ssettag s2;
	_ =	strace s9  }
0x27: {  	s1 =	sld [smem:$0x3FA8]  }
0x28: {  	s2 =	sld [smem:$0x3FA9]  }
0x29: {  	s4 =	sld [smem:$0x3FAB]  }
0x2a: {  	p0 =	seq.s32 s5, $0x0;
	s5 =	sld [smem:$0x3FAC]  }
0x2b: {  	s6 =	sld [smem:$0x3FAD]  }
0x2c: {  	s7 =	sld [smem:$0x3FAE]  }
0x2d: {  	s3 =	simm.s32 $0x108;
	s8 =	sld [smem:$0x3FAF]  }
0x2e: {  	s3 =	simm.s32 @!p0 $0x1082;
	s9 =	sld [smem:$0x3FB0]  }
0x2f: {  	lr =	sadd.s32 s0, s3;
	s0 =	sld [smem:$0x3FA7]  }
0x30: {  	s3 =	sld [smem:$0x3FAA]  }
0x31: {  	[smem:$0x3FB3] =	sst s10  }
0x32: {  	s10 =	sld [smem:$0x3FB1];
	_ =	sdelay $0x3  }
0x33: {  	p0 =	seq.s32 s10, $0x1;
	s10 =	sld [smem:$0x3FB3];
	_ =	sdelay $0x3  }
0x34: {  	[smem:$0x3FB3] =	sst s10  }
0x35: {  	s10 =	sld [smem:$0x3FB2];
	_ =	sdelay $0x3  }
0x36: {  	p1 =	seq.s32 s10, $0x1;
	s10 =	sld [smem:$0x3FB3];
	_ =	sdelay $0x3  }
0x37: {  	[smem:$0x3FB3] =	sst s10  }
0x38: {  	s10 =	sld [smem:$0x3FB4]  }
0x39: {  	_ = 	snop;
	(pc) =	sbr.ind lr, $3  }
0x3a: {  	_ = 	snop  }
0x3b: {  	_ = 	snop  }
0x3c: {  	p2 =	seq.s32 s10, $0x1;
	s10 =	sld [smem:$0x3FB3]  }
0x3d: {  	_ =	shalt  }
0x3e: {  	_ =	shalt  }
0x3f: {  	_ =	shalt  }
0x40: {  	_ =	shalt  }
0x41: {  	_ =	shalt  }
0x42: {  	_ =	shalt  }
0x43: {  	_ =	shalt  }
0x44: {  	_ =	shalt  }
0x45: {  	_ =	shalt  }
0x46: {  	_ =	shalt  }
0x47: {  	_ =	shalt  }
0x48: {  	_ =	shalt  }
0x49: {  	_ =	shalt  }
0x4a: {  	_ =	shalt  }
0x4b: {  	_ =	shalt  }
0x4c: {  	_ =	shalt  }
0x4d: {  	_ =	shalt  }
0x4e: {  	_ =	shalt  }
0x4f: {  	_ =	shalt  }
0x50: {  	_ =	shalt  }
0x51: {  	_ =	shalt  }
0x52: {  	_ =	shalt  }
0x53: {  	_ =	shalt  }
0x54: {  	_ =	shalt  }
0x55: {  	_ =	shalt  }
0x56: {  	_ =	shalt  }
0x57: {  	_ =	shalt  }
0x58: {  	_ =	shalt  }
0x59: {  	_ =	shalt  }
0x5a: {  	_ =	shalt  }
0x5b: {  	_ =	shalt  }
0x5c: {  	_ =	shalt  }
0x5d: {  	_ =	shalt  }
0x5e: {  	_ =	shalt  }
0x5f: {  	_ =	shalt  }
0x60: {  	_ =	shalt  }
0x61: {  	_ =	shalt  }
0x62: {  	_ =	shalt  }
0x63: {  	_ =	shalt  }
0x64: {  	_ =	shalt  }
0x65: {  	_ =	shalt  }
0x66: {  	_ =	shalt  }
0x67: {  	_ =	shalt  }
0x68: {  	_ =	shalt  }
0x69: {  	_ =	shalt  }
0x6a: {  	_ =	shalt  }
0x6b: {  	_ =	shalt  }
0x6c: {  	_ =	shalt  }
0x6d: {  	_ =	shalt  }
0x6e: {  	_ =	shalt  }
0x6f: {  	_ =	shalt  }
0x70: {  	_ =	shalt  }
0x71: {  	_ =	shalt  }
0x72: {  	_ =	shalt  }
0x73: {  	_ =	shalt  }
0x74: {  	_ =	shalt  }
0x75: {  	_ =	shalt  }
0x76: {  	_ =	shalt  }
0x77: {  	_ =	shalt  }
0x78: {  	_ =	shalt  }
0x79: {  	_ =	shalt  }
0x7a: {  	_ =	shalt  }
0x7b: {  	_ =	shalt  }
0x7c: {  	_ =	shalt  }
0x7d: {  	_ =	shalt  }
0x7e: {  	_ =	shalt  }
0x7f: {  	_ =	shalt  }
0x80: {  	_ =	shalt  }
0x81: {  	_ =	shalt  }
0x82: {  	_ =	shalt  }
0x83: {  	_ =	shalt  }
0x84: {  	_ =	shalt  }
0x85: {  	_ =	shalt  }
0x86: {  	_ =	shalt  }
0x87: {  	_ =	shalt  }
.Lfunc_end0:
.L_simem_size_0:
called_computation.1_lowered:
.L_overlay_start_0:
0x88: {  	s2 =	sld [smem:$0x3FD9]  }
0x89: {  	s3 =	sld [smem:$0x3FFE];
	_ =	sdelay $0x1  }
0x8a: {  	s1 =	srdreg.scid  }
0x8b: {  	s0 =	sand.u32 $0x1, s1  }
0x8c: {  	s16 =	sshll.u32 s0, $0xA;
	s2 =	sadd.s32 s3, s2  }
0x8d: {  	s2 =	sadd.s32 s2, s16  }
0x8e: {  	[smem:$0x3FBF] =	sst s2  }
0x8f: {  	_ = 	snop  }
0x90: {  	(tm) =	ssettm $0x1  }
0x91: {  	s17 =	sld [smem:$0x3FFB];
	_ =	sdelay $0x3  }
0x92: {  	_ =	strace s17  }
0x93: {  	s2 =	sld [smem:$0x3FFC];
	_ =	sdelay $0x3  }
0x94: {  	_ =	strace s2  }
0x95: {  	s2 =	sld [smem:$0x3FFD];
	_ =	sdelay $0x3  }
0x96: {  	_ =	strace s2  }
0x97: {  	_ =	strace $0x8FFFFFFF  }
0x98: {  	s18 =	sld [smem:$0x3FDB];
	_ =	sdelay $0x1  }
0x99: {  	s19 =	simm.s32 $_scs_section_size  }
0x9a: {  	s4 =	simm.s32 $_size__tile_overlayer_lowered;
	s5 =	simm.s32 $_tile_overlayer_lowered  }
0x9b: {  	s22 =	simm.s32 $0x1BFF;
	s21 =	sshll.u32 s5, $0x1;
	s2 =	sadd.s32 s19, s18  }
0x9c: {  	s6 =	simm.s32 $0x0;
	s20 =	sshll.u32 s4, $0x1;
	s4 =	sadd.s32 s21, s2  }
0x9d: {  	[timem:s6], [sflag:s22] =	dma.local [hbm:s4], s20  }
0x9e: {  	_ =	swait.ge [sflag:s22], s20  }
0x9f: {  	s3 =	ssub.s32 $0x0, s20;
	[sflag:s22] =	ssyncset.done $0x0  }
0xa0: {  	[sflag:s22] =	ssyncadd.s32 s3;
	_ =	sdelay $0x1  }
0xa1: {  	s23 =	simm.s32 $0x1B8B  }
0xa2: {  	_ =	swait.ge [sflag:s23], $0x1  }
0xa3: {  	[sflag:s23] =	ssyncset.done $0x0  }
0xa4: {  	s25 =	simm.s32 $0x1B8E;
	s24 =	sld [smem:$0x3FFE];
	[sflag:s23] =	ssyncadd.s32 $0xFFFFFFFF  }
0xa5: {  	s26 =	simm.s32 $execute0_lowered;
	[smem:$0x3FD2] =	sst s25  }
0xa6: {  	s4 =	sshll.u32 s26, $0x1;
	_ =	strace $0x80000049;
	[dreg:$0x1] =	wrdreg $0xFFFFFFFF  }
0xa7: {  	s28 =	simm.s32 $_size_execute0_lowered;
	s2 =	sadd.s32 s2, s4;
	[dreg:$0x0] =	wrdreg $0x0  }
0xa8: {  	s4 =	sshll.u32 s28, $0x1;
	[dreg:$0x2] =	wrdreg s2  }
0xa9: {  	[dreg:$0x3] =	wrdreg s4  }
0xaa: {  	[dreg:$0x4] =	wrdreg $0xC0  }
0xab: {  	_ =	task [dreg:s6], $0x5FFFF  }
0xac: {  	[dreg:$0x1] =	wrdreg $0xFFFFFFFF  }
0xad: {  	[dreg:$0x0] =	wrdreg $0x60  }
0xae: {  	[dreg:$0x2] =	wrdreg s24  }
0xaf: {  	[dreg:$0x3] =	wrdreg $0xA9000  }
0xb0: {  	[dreg:$0x4] =	wrdreg $0x9  }
0xb1: {  	_ =	task.clear_ibuf [dreg:s6], $0x5FFFF;
	_ =	strace $0x90000049  }
0xb2: {  	s29 =	simm.s32 $0x9;
	_ =	strace $0x8000004B  }
0xb3: {  	_ =	swait.ge [sflag:s29], $0x1  }
0xb4: {  	[sflag:s29] =	ssyncadd.s32 $0xFFFFFFFF  }
0xb5: {  	_ =	strace $0x9000004B  }
0xb6: {  	_ =	sfence  }
0xb7: {  	s30 =	sld [smem:$0x0];
	_ =	sdelay $0x2  }
0xb8: {  	s31 =	sshll.u32 s1, $0xD;
	s1 =	sshrl.u32 s1, $0x2  }
0xb9: {  	s3 =	sand.u32 $0x4000, s31;
	s1 =	sadd.s32 s1, s30  }
0xba: {  	s0 =	sor.u32 s3, s0;
	s1 =	sshll.u32 s1, $0x11  }
0xbb: {  	s0 =	sor.u32 s1, s0  }
0xbc: {  	s0 =	sadd.s32 $0x8F2B, s0  }
0xbd: {  	[sflag:s0] =	ssyncadd.remote.s32 $0x1  }
0xbe: {  	_ =	sfence.sel $0xFFFF  }
0xbf: {  	[dreg:$0x0] =	wrdreg $0xFFFFFFFF;
	(pc) =	sbr.abs _section_cstart, $3  }
0xc0: {  	[dreg:$0x1] =	wrdreg $0xFFFFFFFF  }
0xc1: {  	_ =	task.clear_ibuf [dreg:s6], $0x2FFFF;
	_ =	strace $0x9FFFFFFF  }
0xc2: {  	(tm) =	ssettm $0x7FFFFFFF  }
0xc3: {  	_ =	shalt  }
tec
execute0_lowered:
.L_overlay_start_1:
0x0: {  	(tag) =	ssettag $0x1  }
0x1: {  	s0 =	rddreg [dreg:$0x0]  }
0x2: {  	s1 =	rddreg [dreg:$0x1]  }
0x3: {  	s2 =	simm.s32 $0x0;
	s3 =	stileid.u32;
	s5 =	srdreg.scid  }
0x4: {  	s13 =	simm.s32 $0x7;
	s16 =	simm.s32 $0x2800;
	s4 =	smul.u32 $0x500, s3  }
0x5: {  	s18 =	simm.s32 $0x2880;
	s28 =	simm.s32 $0x5;
	s6 =	smul.u32 $0x2780, s3  }
0x6: {  	s29 =	simm.s32 $0x6;
	[smem:$0x7FF] =	sst s2;
	s9 =	smul.u32 $0x4F000, s3  }
0x7: {  	s8 =	sadd.s32 $0x82A00, s0;
	s5 =	sand.u32 $0x1, s5;
	s21 =	smul.u32 $0x270, s3  }
0x8: {  	s30 =	sshll.u32 s3, $0x6;
	p0 =	sne.s32 s3, $0x0;
	_ =	strace $0x8000004A  }
0x9: {  	s19 =	ssub.s32 $0x2, s5;
	s23 =	smul.u32 $0x27100, s5;
	s14 =	sor.u32 $0x1C07, s30  }
0xa: {  	s7 =	sadd.s32 s4, s0;
	s6 =	sadd.s32 s6, s0;
	s0 =	sadd.s32 $0x11EE00, s0  }
0xb: {  	s10 =	sshrl.u32 s19, $0x1;
	s20 =	sshrl.u32 s9, $0x2;
	s9 =	sadd.s32 $0x10, s21  }
0xc: {  	s21 =	simm.s32 $0x80;
	s12 =	ssub.s32 s19, s10;
	s22 =	sadd.s32 $0x56200, s7  }
0xd: {  	s15 =	sadd.s32 s20, s1;
	s24 =	sadd.s32 $0x5B200, s6;
	s5 =	sadd.s32 $0x51200, s7  }
0xe: {  	s6 =	sadd.s32 s8, s23;
	s7 =	sadd.s32 s0, s23;
	s11 =	sshll.u32 s9, $0x7  }
0xf: {  	s9 =	sshll.u32 s9, $0x4;
	s26 =	sadd.s32 $0x4E200, s23;
	[dreg:$0x3] =	wrdreg s22  }
0x10: {  	s20 =	simm.s32 $0x1;
	s23 =	simm.s32 $0x2;
	[dreg:$0x4] =	wrdreg s24  }
.Ltmp0:
0x11: {  	s25 =	sadd.s32 s11, s1;
	s10 =	sadd.s32 s8, s26;
	(pc) =	sbr.rel .LBB2_1-.Ltmp0, $4  }
0x12: {  	s11 =	sadd.s32 s0, s26;
	s31 =	smax.u32 s12, $0x1;
	s15 =	sshrl.u32 s15, $0x3  }
0x13: {  	s17 =	sadd.s32 $0x10, s5;
	s19 =	sadd.s32 $0x20, s5;
	s22 =	simm.s32 $0x2900  }
0x14: {  	s24 =	simm.s32 $0x6900;
	s26 =	simm.s32 $0x4;
	[dreg:$0x5] =	wrdreg s25  }
0x15: {  	s0 =	simm.s32 $0x0;
	[dreg:$0x6] =	wrdreg s31;
	s25 =	simm.s32 $0x3  }
.LBB2_7:
0x16: {  	s3 =	simm.s32 $0x2700  }
0x17: {  	[spmem:s1] =	stream.indirect.scatter.add.f32 [tilespmem:s22], [sflag:$0x5], $0x80, s3, s21, $0xb8;
	[tilespmem:$0x1E500] =	vst v63  }
0x18: {  	_ =	swait.ge [sflag:s26], $0x4000  }
0x19: {  	[sflag:s26] =	ssyncset.done $0x0  }
0x1a: {  	s8 =	simm.s32 $0x2780;
	[sflag:s26] =	ssyncadd.s32 $0xFFFFC000  }
0x1b: {  	[spmem:s1] =	stream.indirect.scatter.add.f32 [tilespmem:s24], [sflag:$0x6], $0x80, s8, s21, $0xb8;
	[tilespmem:$0x1E500] =	vst v63  }
0x1c: {  	_ =	swait.ge [sflag:s28], $0x4000  }
0x1d: {  	[sflag:s28] =	ssyncset.done $0x0  }
0x1e: {  	[sflag:s28] =	ssyncadd.s32 $0xFFFFC000  }
0x1f: {  	_ =	swait.ge [sflag:s29], $0x4000  }
0x20: {  	[sflag:s29] =	ssyncset.done $0x0  }
0x21: {  	[sflag:s29] =	ssyncadd.s32 $0xFFFFC000  }
0x22: {  	s3 =	sadd.s32 @p0 s9, s11;
	[bflag:$0x0] =	sbarrier.arrive $0xFFFF  }
0x23: {  	[hbm:s3], [sflag:s14] =	dma.local @p0 [spmem:s12], $0x2700  }
0x24: {  	s3 =	simm.s32 @p0 $0x7  }
0x25: {  	_ =	swait.ge @p0 [sflag:s3], $0x2700  }
0x26: {  	[sflag:s3] =	ssyncset.done @p0 $0x0  }
0x27: {  	[sflag:s3] =	ssyncadd.s32 @p0 $0xFFFFD900;
	s3 =	simm.s32 @!p0 $0x7  }
0x28: {  	[hbm:s11], [sflag:s14] =	dma.local @!p0 [spmem:s30], $0x2800  }
0x29: {  	_ =	swait.ge @!p0 [sflag:s3], $0x2800  }
0x2a: {  	s0 =	sadd.s32 $0x1, s0;
	s31 =	rddreg [dreg:$0x6]  }
0x2b: {  	p1 =	sne.s32 s0, s31  }
.Ltmp1:
0x2c: {  	_ = 	snop;
	(pc) =	sbr.rel @!p1 .LBB2_8-.Ltmp1, $3  }
0x2d: {  	[sflag:s3] =	ssyncset.done @!p0 $0x0  }
0x2e: {  	[sflag:s3] =	ssyncadd.s32 @!p0 $0xFFFFD800  }
0x2f: {  	[bflag:$0x0] =	sbarrier.arrive $0xFFFF;
	_ =	sdelay $0x1  }
.LBB2_1:
0x30: {  	s3 =	rddreg [dreg:$0x3]  }
0x31: {  	[tilespmem:s2], [sflag:$0x7] =	stream.linear.gather [hbm4b:s3+s2], $0x2800, $0x38;
	[tilespmem:$0x1E500] =	vst v63  }
0x32: {  	_ =	swait.ge [sflag:s13], $0x2800  }
0x33: {  	[sflag:s13] =	ssyncset.done $0x0  }
0x34: {  	s31 =	rddreg [dreg:$0x4];
	[sflag:s13] =	ssyncadd.s32 $0xFFFFD800  }
0x35: {  	[spmem:s15], [sflag:s14] =	dma.local [hbm:s31], $0x2780  }
0x36: {  	_ =	swait.ge [sflag:s13], $0x2780  }
0x37: {  	[sflag:s13] =	ssyncset.done $0x0  }
0x38: {  	[sflag:s13] =	ssyncadd.s32 $0xFFFFD880  }
0x39: {  	[tilespmem:s16], [sflag:$0x1] =	stream.linear.gather [hbm4b:s5+s2], $0x80, $0x38;
	[tilespmem:$0x1E500] =	vst v63  }
0x3a: {  	_ = 	snop  }
0x3b: {  	[tilespmem:s18], [sflag:$0x2] =	stream.linear.gather [hbm4b:s17+s2], $0x80, $0x38;
	[tilespmem:$0x1E500] =	vst v63  }
0x3c: {  	[bflag:$0x0] =	sbarrier.arrive $0xFFFF  }
0x3d: {  	_ =	swait.ge [sflag:s20], $0x80  }
0x3e: {  	[sflag:s20] =	ssyncset.done $0x0  }
0x3f: {  	[sflag:s20] =	ssyncadd.s32 $0xFFFFFF80  }
0x40: {  	[tilespmem:s22], [sflag:$0x3] =	stream.indirect.gather [hbm4b:s6+s21], $0x80, s16, s21, $0xb8;
	[tilespmem:$0x1E500] =	vst v63  }
0x41: {  	_ =	swait.ge [sflag:s23], $0x80  }
0x42: {  	[sflag:s23] =	ssyncset.done $0x0  }
0x43: {  	[sflag:s23] =	ssyncadd.s32 $0xFFFFFF80  }
0x44: {  	[tilespmem:s24], [sflag:$0x4] =	stream.indirect.gather [hbm4b:s6+s21], $0x80, s18, s21, $0xb8;
	[tilespmem:$0x1E500] =	vst v63  }
0x45: {  	_ =	swait.ge [sflag:s25], $0x4000  }
0x46: {  	[sflag:s25] =	ssyncset.done $0x0  }
0x47: {  	[sflag:s25] =	ssyncadd.s32 $0xFFFFC000  }
0x48: {  	[tilespmem:s16], [sflag:$0x1] =	stream.linear.gather [hbm4b:s19+s2], $0x80, $0x38;
	[tilespmem:$0x1E500] =	vst v63  }
0x49: {  	_ = 	snop  }
0x4a: {  	[spmem:s1] =	stream.indirect.scatter.add.f32 [tilespmem:s22], [sflag:$0x5], $0x80, s2, s21, $0xb8;
	[tilespmem:$0x1E500] =	vst v63  }
0x4b: {  	_ =	swait.ge [sflag:s26], $0x4000  }
0x4c: {  	[sflag:s26] =	ssyncset.done $0x0  }
0x4d: {  	s8 =	sadd.s32 $0x30, s5;
	s3 =	sadd.s32 $0x40, s5;
	[sflag:s26] =	ssyncadd.s32 $0xFFFFC000  }
0x4e: {  	[tilespmem:s18], [sflag:$0x2] =	stream.linear.gather [hbm4b:s8+s2], $0x80, $0x38;
	[tilespmem:$0x1E500] =	vst v63  }
0x4f: {  	s12 =	simm.s32 $0xFFFF6800;
	s30 =	smov.u32 s3  }
0x50: {  	[spmem:s1] =	stream.indirect.scatter.add.f32 [tilespmem:s24], [sflag:$0x6], $0x80, s21, s21, $0xb8;
	[tilespmem:$0x1E500] =	vst v63  }
.LBB2_2:
0x51: {  	_ =	swait.ge [sflag:s20], $0x80  }
0x52: {  	[sflag:s20] =	ssyncset.done $0x0  }
0x53: {  	[sflag:s20] =	ssyncadd.s32 $0xFFFFFF80  }
0x54: {  	_ =	swait.ge [sflag:s28], $0x4000  }
0x55: {  	[sflag:s28] =	ssyncset.done $0x0  }
0x56: {  	[sflag:s28] =	ssyncadd.s32 $0xFFFFC000  }
0x57: {  	[tilespmem:s22], [sflag:$0x3] =	stream.indirect.gather [hbm4b:s6+s21], $0x80, s16, s21, $0xb8;
	[tilespmem:$0x1E500] =	vst v63  }
0x58: {  	_ =	swait.ge [sflag:s23], $0x80  }
0x59: {  	[sflag:s23] =	ssyncset.done $0x0  }
0x5a: {  	[sflag:s23] =	ssyncadd.s32 $0xFFFFFF80  }
0x5b: {  	_ =	swait.ge [sflag:s29], $0x4000  }
0x5c: {  	p1 =	seq.s32 s12, $0x0;
	[sflag:s29] =	ssyncset.done $0x0  }
.Ltmp2:
0x5d: {  	[sflag:s29] =	ssyncadd.s32 $0xFFFFC000;
	(pc) =	sbr.rel @p1 .LBB2_4-.Ltmp2, $4  }
0x5e: {  	[tilespmem:s24], [sflag:$0x4] =	stream.indirect.gather [hbm4b:s6+s21], $0x80, s18, s21, $0xb8;
	[tilespmem:$0x1E500] =	vst v63  }
0x5f: {  	_ =	swait.ge [sflag:s25], $0x4000  }
0x60: {  	[sflag:s25] =	ssyncset.done $0x0  }
0x61: {  	[sflag:s25] =	ssyncadd.s32 $0xFFFFC000  }
0x62: {  	[tilespmem:s16], [sflag:$0x1] =	stream.linear.gather [hbm4b:s30+s2], $0x80, $0x38;
	[tilespmem:$0x1E500] =	vst v63  }
0x63: {  	s31 =	sshra.s32 s12, $0x2  }
0x64: {  	s4 =	sadd.s32 $0x2700, s31  }
0x65: {  	[spmem:s1] =	stream.indirect.scatter.add.f32 [tilespmem:s22], [sflag:$0x5], $0x80, s4, s21, $0xb8;
	[tilespmem:$0x1E500] =	vst v63  }
0x66: {  	_ =	swait.ge [sflag:s26], $0x4000  }
.Ltmp3:
0x67: {  	[sflag:s26] =	ssyncset.done $0x0;
	(pc) =	sbr.rel .LBB2_2-.Ltmp3, $4  }
0x68: {  	s4 =	sadd.s32 $0x10, s30;
	[sflag:s26] =	ssyncadd.s32 $0xFFFFC000  }
0x69: {  	[tilespmem:s18], [sflag:$0x2] =	stream.linear.gather [hbm4b:s4+s2], $0x80, $0x38;
	[tilespmem:$0x1E500] =	vst v63  }
0x6a: {  	s12 =	sadd.s32 $0x400, s12;
	s31 =	sadd.s32 $0x2780, s31;
	s30 =	sadd.s32 $0x20, s30  }
0x6b: {  	[spmem:s1] =	stream.indirect.scatter.add.f32 [tilespmem:s24], [sflag:$0x6], $0x80, s31, s21, $0xb8;
	[tilespmem:$0x1E500] =	vst v63  }
.LBB2_4:
0x6c: {  	s4 =	simm.s32 $0x2700  }
0x6d: {  	[spmem:s1] =	stream.indirect.scatter.add.f32 [tilespmem:s22], [sflag:$0x5], $0x80, s4, s21, $0xb8;
	[tilespmem:$0x1E500] =	vst v63  }
0x6e: {  	_ =	swait.ge [sflag:s26], $0x4000  }
0x6f: {  	[sflag:s26] =	ssyncset.done $0x0  }
0x70: {  	s12 =	simm.s32 $0x2780;
	[sflag:s26] =	ssyncadd.s32 $0xFFFFC000  }
0x71: {  	[spmem:s1] =	stream.indirect.scatter.add.f32 [tilespmem:s24], [sflag:$0x6], $0x80, s12, s21, $0xb8;
	[tilespmem:$0x1E500] =	vst v63  }
0x72: {  	_ =	swait.ge [sflag:s28], $0x4000  }
0x73: {  	[sflag:s28] =	ssyncset.done $0x0  }
0x74: {  	[sflag:s28] =	ssyncadd.s32 $0xFFFFC000  }
0x75: {  	_ =	swait.ge [sflag:s29], $0x4000  }
0x76: {  	[sflag:s29] =	ssyncset.done $0x0  }
0x77: {  	[sflag:s29] =	ssyncadd.s32 $0xFFFFC000  }
0x78: {  	[bflag:$0x0] =	sbarrier.arrive $0xFFFF  }
0x79: {  	s12 =	rddreg [dreg:$0x5]  }
0x7a: {  	s4 =	sadd.s32 @p0 s9, s7;
	s12 =	sshrl.u32 @p0 s12, $0x3  }
0x7b: {  	[hbm:s4], [sflag:s14] =	dma.local @p0 [spmem:s12], $0x2700  }
0x7c: {  	s4 =	simm.s32 @p0 $0x7  }
0x7d: {  	_ =	swait.ge @p0 [sflag:s4], $0x2700  }
0x7e: {  	[sflag:s4] =	ssyncset.done @p0 $0x0  }
0x7f: {  	s30 =	sshrl.u32 @!p0 s1, $0x3;
	[sflag:s4] =	ssyncadd.s32 @p0 $0xFFFFD900;
	s4 =	simm.s32 @!p0 $0x7  }
0x80: {  	[hbm:s7], [sflag:s14] =	dma.local @!p0 [spmem:s30], $0x2800  }
0x81: {  	_ =	swait.ge @!p0 [sflag:s4], $0x2800  }
0x82: {  	[sflag:s4] =	ssyncset.done @!p0 $0x0  }
0x83: {  	[sflag:s4] =	ssyncadd.s32 @!p0 $0xFFFFD800  }
0x84: {  	[bflag:$0x0] =	sbarrier.arrive $0xFFFF  }
0x85: {  	s31 =	rddreg [dreg:$0x4]  }
0x86: {  	[spmem:s15], [sflag:s14] =	dma.local [hbm:s31], $0x2780  }
0x87: {  	_ =	swait.ge [sflag:s13], $0x2780  }
0x88: {  	[sflag:s13] =	ssyncset.done $0x0  }
0x89: {  	[sflag:s13] =	ssyncadd.s32 $0xFFFFD880  }
0x8a: {  	[tilespmem:s16], [sflag:$0x1] =	stream.linear.gather [hbm4b:s5+s2], $0x80, $0x38;
	[tilespmem:$0x1E500] =	vst v63  }
0x8b: {  	_ = 	snop  }
0x8c: {  	[tilespmem:s18], [sflag:$0x2] =	stream.linear.gather [hbm4b:s17+s2], $0x80, $0x38;
	[tilespmem:$0x1E500] =	vst v63  }
0x8d: {  	[bflag:$0x0] =	sbarrier.arrive $0xFFFF  }
0x8e: {  	_ =	swait.ge [sflag:s20], $0x80  }
0x8f: {  	[sflag:s20] =	ssyncset.done $0x0  }
0x90: {  	[sflag:s20] =	ssyncadd.s32 $0xFFFFFF80  }
0x91: {  	[tilespmem:s22], [sflag:$0x3] =	stream.indirect.gather [hbm4b:s10+s21], $0x80, s16, s21, $0xb8;
	[tilespmem:$0x1E500] =	vst v63  }
0x92: {  	_ =	swait.ge [sflag:s23], $0x80  }
0x93: {  	[sflag:s23] =	ssyncset.done $0x0  }
0x94: {  	[sflag:s23] =	ssyncadd.s32 $0xFFFFFF80  }
0x95: {  	[tilespmem:s24], [sflag:$0x4] =	stream.indirect.gather [hbm4b:s10+s21], $0x80, s18, s21, $0xb8;
	[tilespmem:$0x1E500] =	vst v63  }
0x96: {  	_ =	swait.ge [sflag:s25], $0x4000  }
0x97: {  	[sflag:s25] =	ssyncset.done $0x0  }
0x98: {  	[sflag:s25] =	ssyncadd.s32 $0xFFFFC000  }
0x99: {  	[tilespmem:s16], [sflag:$0x1] =	stream.linear.gather [hbm4b:s19+s2], $0x80, $0x38;
	[tilespmem:$0x1E500] =	vst v63  }
0x9a: {  	_ = 	snop  }
0x9b: {  	[spmem:s1] =	stream.indirect.scatter.add.f32 [tilespmem:s22], [sflag:$0x5], $0x80, s2, s21, $0xb8;
	[tilespmem:$0x1E500] =	vst v63  }
0x9c: {  	_ =	swait.ge [sflag:s26], $0x4000  }
0x9d: {  	[sflag:s26] =	ssyncset.done $0x0  }
0x9e: {  	[sflag:s26] =	ssyncadd.s32 $0xFFFFC000  }
0x9f: {  	[tilespmem:s18], [sflag:$0x2] =	stream.linear.gather [hbm4b:s8+s2], $0x80, $0x38;
	[tilespmem:$0x1E500] =	vst v63  }
0xa0: {  	s8 =	simm.s32 $0xFFFF6800  }
0xa1: {  	[spmem:s1] =	stream.indirect.scatter.add.f32 [tilespmem:s24], [sflag:$0x6], $0x80, s21, s21, $0xb8;
	[tilespmem:$0x1E500] =	vst v63  }
.LBB2_5:
0xa2: {  	_ =	swait.ge [sflag:s20], $0x80  }
0xa3: {  	[sflag:s20] =	ssyncset.done $0x0  }
0xa4: {  	[sflag:s20] =	ssyncadd.s32 $0xFFFFFF80  }
0xa5: {  	_ =	swait.ge [sflag:s28], $0x4000  }
0xa6: {  	[sflag:s28] =	ssyncset.done $0x0  }
0xa7: {  	[sflag:s28] =	ssyncadd.s32 $0xFFFFC000  }
0xa8: {  	[tilespmem:s22], [sflag:$0x3] =	stream.indirect.gather [hbm4b:s10+s21], $0x80, s16, s21, $0xb8;
	[tilespmem:$0x1E500] =	vst v63  }
0xa9: {  	_ =	swait.ge [sflag:s23], $0x80  }
0xaa: {  	[sflag:s23] =	ssyncset.done $0x0  }
0xab: {  	[sflag:s23] =	ssyncadd.s32 $0xFFFFFF80  }
0xac: {  	_ =	swait.ge [sflag:s29], $0x4000  }
0xad: {  	p1 =	seq.s32 s8, $0x0;
	[sflag:s29] =	ssyncset.done $0x0  }
.Ltmp4:
0xae: {  	[sflag:s29] =	ssyncadd.s32 $0xFFFFC000;
	(pc) =	sbr.rel @p1 .LBB2_7-.Ltmp4, $4  }
0xaf: {  	[tilespmem:s24], [sflag:$0x4] =	stream.indirect.gather [hbm4b:s10+s21], $0x80, s18, s21, $0xb8;
	[tilespmem:$0x1E500] =	vst v63  }
0xb0: {  	_ =	swait.ge [sflag:s25], $0x4000  }
0xb1: {  	[sflag:s25] =	ssyncset.done $0x0  }
0xb2: {  	[sflag:s25] =	ssyncadd.s32 $0xFFFFC000  }
0xb3: {  	[tilespmem:s16], [sflag:$0x1] =	stream.linear.gather [hbm4b:s3+s2], $0x80, $0x38;
	[tilespmem:$0x1E500] =	vst v63  }
0xb4: {  	s4 =	sshra.s32 s8, $0x2  }
0xb5: {  	s31 =	sadd.s32 $0x2700, s4  }
0xb6: {  	[spmem:s1] =	stream.indirect.scatter.add.f32 [tilespmem:s22], [sflag:$0x5], $0x80, s31, s21, $0xb8;
	[tilespmem:$0x1E500] =	vst v63  }
0xb7: {  	_ =	swait.ge [sflag:s26], $0x4000  }
.Ltmp5:
0xb8: {  	[sflag:s26] =	ssyncset.done $0x0;
	(pc) =	sbr.rel .LBB2_5-.Ltmp5, $4  }
0xb9: {  	s31 =	sadd.s32 $0x10, s3;
	[sflag:s26] =	ssyncadd.s32 $0xFFFFC000  }
0xba: {  	[tilespmem:s18], [sflag:$0x2] =	stream.linear.gather [hbm4b:s31+s2], $0x80, $0x38;
	[tilespmem:$0x1E500] =	vst v63  }
0xbb: {  	s8 =	sadd.s32 $0x400, s8;
	s4 =	sadd.s32 $0x2780, s4;
	s3 =	sadd.s32 $0x20, s3  }
0xbc: {  	[spmem:s1] =	stream.indirect.scatter.add.f32 [tilespmem:s24], [sflag:$0x6], $0x80, s4, s21, $0xb8;
	[tilespmem:$0x1E500] =	vst v63  }
.LBB2_8:
0xbd: {  	_ =	sfence.sel $0x180000  }
0xbe: {  	[bflag:$0x0] =	sbarrier.arrive $0xFFFF  }
0xbf: {  	_ =	strace $0x9000004A  }
0xc0: {  	[bflag:$0x2] =	sbarrier.arrive $0xFFFF  }
0xc1: {  	s0 =	rddreg [dreg:$0x2]  }
0xc2: {  	s0 =	sadd.s32 @!p0 $0x100000, s0  }
0xc3: {  	[sflag:s0] =	ssyncadd.tile.s32 @!p0 $0x1;
	_ =	shalt  }
.Lfunc_end2:
_tile_overlayer_lowered:
.L_overlay_start_2:
0xc4: {  	(tag) =	ssettag $0x2  }
0xc5: {  	s0 =	rddreg [dreg:$0x0];
	s2 =	stileid.u32  }
0xc6: {  	s1 =	rddreg [dreg:$0x1];
	p0 =	sne.s32 s2, $0x0  }
0xc7: {  	s3 =	rddreg [dreg:$0x2];
	[bflag:$0x3] =	sbarrier.arrive $0xFFFF;
	s2 =	simm.s32 @!p0 $0x1C07  }
0xc8: {  	[timem:s3], [sflag:s2] =	dma.local @!p0 [hbm:s0], s1  }
0xc9: {  	s0 =	simm.s32 @!p0 $0x7  }
0xca: {  	_ =	swait.ge @!p0 [sflag:s0], s1  }
0xcb: {  	s1 =	ssub.s32 @!p0 $0x0, s1;
	[sflag:s0] =	ssyncset.done @!p0 $0x0  }
0xcc: {  	[sflag:s0] =	ssyncadd.s32 @!p0 s1  }
0xcd: {  	[bflag:$0x3] =	sbarrier.arrive $0xFFFF  }
0xce: {  	_ =	shalt  }

</sc_bundles>
